<compile_context>
chip_gen: v7x
topology: tpu7x:2x2x1
jax: 0.10.2.dev20260603
libtpu: 0.0.44.dev20260713+nightly
codegen_flags: <defaults>
</compile_context>

<pallas_src>
import functools

import jax
import jax.numpy as jnp
from jax import lax
from jax.experimental import pallas as pl
from jax.experimental.pallas import tpu as pltpu
from jax.experimental.pallas import tpu_sc as plsc

_NC = 2
_NS = 16
_L = 16
_NW = _NC * _NS

_CHUNK = 10000
_NBUF = 2


def _sc_gather_scatter(featT_flat, edge_flat, n_nodes, d_in):
    cols_per_w = d_in // _NW
    n_edges = edge_flat.shape[0] // 2
    n_chunks = n_edges // _CHUNK
    mesh = plsc.VectorSubcoreMesh(core_axis_name="c", subcore_axis_name="s")

    scratch = (
        [pltpu.VMEM((n_nodes,), jnp.float32) for _ in range(cols_per_w)]
        + [pltpu.VMEM((n_nodes,), jnp.float32) for _ in range(cols_per_w)]
        + [pltpu.VMEM((_CHUNK,), jnp.int32) for _ in range(2 * _NBUF)]
        + [pltpu.SemaphoreType.DMA, pltpu.SemaphoreType.DMA,
           pltpu.SemaphoreType.DMA]
    )

    @functools.partial(
        pl.kernel,
        out_type=jax.ShapeDtypeStruct((d_in * n_nodes,), jnp.float32),
        mesh=mesh,
        scratch_types=scratch,
        compiler_params=pltpu.CompilerParams(needs_layout_passes=False),
    )
    def k(featT_hbm, edge_hbm, aggT_hbm,
          f0, f1, f2, f3, a0, a1, a2, a3, s0, s1, t0, t1, sem0, sem1, semf):
        feat_cols = (f0, f1, f2, f3)
        agg_cols = (a0, a1, a2, a3)
        src_bufs = (s0, s1)
        dst_bufs = (t0, t1)
        sems = (sem0, sem1)
        wid = lax.axis_index("s") * _NC + lax.axis_index("c")
        row0 = wid * cols_per_w

        def start(b, ck):
            off = ck * _CHUNK
            pltpu.async_copy(edge_hbm.at[pl.ds(off, _CHUNK)], src_bufs[b], sems[b])
            pltpu.async_copy(edge_hbm.at[pl.ds(n_edges + off, _CHUNK)],
                             dst_bufs[b], sems[b])

        def drain(b):
            pltpu.make_async_copy(edge_hbm.at[pl.ds(0, _CHUNK)], src_bufs[b], sems[b]).wait()
            pltpu.make_async_copy(edge_hbm.at[pl.ds(0, _CHUNK)], dst_bufs[b], sems[b]).wait()

        for b in range(_NBUF):
            start(b, b)
        stage = [
            pltpu.async_copy(
                featT_hbm.at[pl.ds((row0 + c) * n_nodes, n_nodes)],
                feat_cols[c], semf)
            for c in range(cols_per_w)
        ]

        @plsc.parallel_loop(0, n_nodes // _L, unroll=8)
        def _zero(i):
            for c in range(cols_per_w):
                agg_cols[c][pl.ds(i * _L, _L)] = jnp.zeros((_L,), jnp.float32)

        for d in stage:
            d.wait()

        @pl.loop(0, n_chunks // _NBUF)
        def _outer(g):
            for b in range(_NBUF):
                ck = g * _NBUF + b
                drain(b)

                @plsc.parallel_loop(0, _CHUNK // _L, unroll=16)
                def _edges(i):
                    s = src_bufs[b][pl.ds(i * _L, _L)]
                    t = dst_bufs[b][pl.ds(i * _L, _L)]
                    for c in range(cols_per_w):
                        vals = plsc.load_gather(feat_cols[c], [s])
                        plsc.addupdate_scatter(agg_cols[c], [t], vals)

                nxt = ck + _NBUF

                @pl.when(nxt < n_chunks)
                def _():
                    start(b, nxt)

        wb = [
            pltpu.async_copy(
                agg_cols[c],
                aggT_hbm.at[pl.ds((row0 + c) * n_nodes, n_nodes)], semf)
            for c in range(cols_per_w)
        ]
        for d in wb:
            d.wait()

    return k(featT_flat, edge_flat)


def _tc_linear_from_aggT(aggT, W, b2d, n_nodes, d_out):

    def body(aggT_ref, w_ref, b_ref, out_ref):
        out_ref[...] = (
            lax.dot_general(
                aggT_ref[...], w_ref[...], (((0,), (1,)), ((), ())),
                preferred_element_type=jnp.float32,
            )
            + b_ref[...]
        )

    return pl.pallas_call(
        body,
        out_shape=jax.ShapeDtypeStruct((n_nodes, d_out), jnp.float32),
    )(aggT, W, b2d)


def kernel(feat, edge_index, W, b):
    n_nodes, d_in = feat.shape
    d_out = W.shape[0]
    featT_flat = feat.T.reshape(-1)
    edge_flat = edge_index.reshape(-1)
    aggT_flat = _sc_gather_scatter(featT_flat, edge_flat, n_nodes, d_in)
    aggT = aggT_flat.reshape(d_in, n_nodes)
    return _tc_linear_from_aggT(aggT, W, b.reshape(1, d_out), n_nodes, d_out)

# --- scband reference (transcript-rebuilt; emitter-appended) ---
"""Pipeline reference for scband-graph-conv-6648609374330 (READ-ONLY COPY).

The authoritative reference and input builder live on the scoring server;
editing this copy changes nothing except your own understanding.
"""

import jax, jax.numpy as jnp
import numpy as np

N_NODES = 10000
N_EDGES = 320000
D_IN = 128
D_OUT = 128


def setup_inputs(seed: int = 0) -> dict:
    key = jax.random.key(seed)
    k1, k2, k3, k4 = jax.random.split(key, 4)
    feat = jax.random.normal(k1, (N_NODES, D_IN), dtype=jnp.float32)
    edge_index = jax.random.randint(k2, (2, N_EDGES), 0, N_NODES, dtype=jnp.int32)
    # Linear layer params (torch nn.Linear convention: W is [out_feats, in_feats])
    bound = 1.0 / np.sqrt(D_IN)
    W = jax.random.uniform(k3, (D_OUT, D_IN), minval=-bound, maxval=bound, dtype=jnp.float32)
    b = jax.random.uniform(k4, (D_OUT,), minval=-bound, maxval=bound, dtype=jnp.float32)
    return {"feat": feat, "edge_index": edge_index, "W": W, "b": b}


def reference(feat, edge_index, W, b):
    # GraphConv forward (full-graph update_all):
    # 1) copy_src message: each edge carries the source node's feature
    # 2) sum reduce: destination node sums messages from all in-neighbors
    # 3) node update: apply linear layer to the aggregated feature
    src = edge_index[0]
    dst = edge_index[1]
    msgs = jnp.take(feat, src, axis=0)                      # gather  [E, D_IN]
    agg = jax.ops.segment_sum(msgs, dst, num_segments=N_NODES)  # scatter-add [N, D_IN]
    out = agg @ W.T + b                                     # linear  [N, D_OUT]
    return out

if __name__ == "__main__":
    import jax
    _d = setup_inputs()
    print(jax.jit(kernel)(*tuple(_d.values())))

</pallas_src>

<mosaic_0001>
#map = affine_map<(d0, d1) -> (0)>
module attributes {stable_mosaic.version = 14 : i64} {
  func.func @k(%arg0: i32, %arg1: i32, %arg2: memref<1280000xf32, #tpu.memory_space<hbm>>, %arg3: memref<640000xi32, #tpu.memory_space<hbm>>, %arg4: memref<1280000xf32, #tpu.memory_space<hbm>>, %arg5: memref<10000xf32, #tpu.memory_space<vmem>>, %arg6: memref<10000xf32, #tpu.memory_space<vmem>>, %arg7: memref<10000xf32, #tpu.memory_space<vmem>>, %arg8: memref<10000xf32, #tpu.memory_space<vmem>>, %arg9: memref<10000xf32, #tpu.memory_space<vmem>>, %arg10: memref<10000xf32, #tpu.memory_space<vmem>>, %arg11: memref<10000xf32, #tpu.memory_space<vmem>>, %arg12: memref<10000xf32, #tpu.memory_space<vmem>>, %arg13: memref<10000xi32, #tpu.memory_space<vmem>>, %arg14: memref<10000xi32, #tpu.memory_space<vmem>>, %arg15: memref<10000xi32, #tpu.memory_space<vmem>>, %arg16: memref<10000xi32, #tpu.memory_space<vmem>>, %arg17: memref<!tpu.dma_semaphore, #tpu.memory_space<semaphore_mem>>, %arg18: memref<!tpu.dma_semaphore, #tpu.memory_space<semaphore_mem>>, %arg19: memref<!tpu.dma_semaphore, #tpu.memory_space<semaphore_mem>>) attributes {dimension_semantics = [#tpu.dimension_semantics<core_parallel>, #tpu.dimension_semantics<subcore_parallel>], iteration_bounds = array<i64: 2, 16>, scalar_prefetch = 0 : i64, scratch_operands = 15 : i64, tpu.core_type = #tpu.core_type<sc_vector_subcore>, window_params = [{transform_indices = #map}, {transform_indices = #map}, {transform_indices = #map}]} {
    %mul3A = arith.constant 2 : i32
    %mul3A_0 = arith.muli %arg1, %mul3A : i32
    %add3A = arith.addi %mul3A_0, %arg0 : i32
    %mul3A_1 = arith.constant 4 : i32
    %mul3A_2 = arith.muli %add3A, %mul3A_1 : i32
    %dma_start3A = arith.constant 0 : i32
    %dma_start3A_3 = tpu.memref_slice %arg3[%dma_start3A] : memref<640000xi32, #tpu.memory_space<hbm>> -> memref<10000xi32, #tpu.memory_space<hbm>>
    %dma_start3A_4 = arith.constant 0 : i32
    %dma_start3A_5 = tpu.memref_slice %arg3[%dma_start3A_4] : memref<640000xi32, #tpu.memory_space<hbm>> -> memref<10000xi32, #tpu.memory_space<hbm>>
    tpu.enqueue_dma source(%dma_start3A_5 : memref<10000xi32, #tpu.memory_space<hbm>>) target(%arg13 : memref<10000xi32, #tpu.memory_space<vmem>>) target_semaphore(%arg17 : memref<!tpu.dma_semaphore, #tpu.memory_space<semaphore_mem>>)
    %dma_start3A_6 = arith.constant 320000 : i32
    %dma_start3A_7 = tpu.memref_slice %arg3[%dma_start3A_6] : memref<640000xi32, #tpu.memory_space<hbm>> -> memref<10000xi32, #tpu.memory_space<hbm>>
    %dma_start3A_8 = arith.constant 320000 : i32
    %dma_start3A_9 = tpu.memref_slice %arg3[%dma_start3A_8] : memref<640000xi32, #tpu.memory_space<hbm>> -> memref<10000xi32, #tpu.memory_space<hbm>>
    tpu.enqueue_dma source(%dma_start3A_9 : memref<10000xi32, #tpu.memory_space<hbm>>) target(%arg15 : memref<10000xi32, #tpu.memory_space<vmem>>) target_semaphore(%arg17 : memref<!tpu.dma_semaphore, #tpu.memory_space<semaphore_mem>>)
    %dma_start3A_10 = arith.constant 10000 : i32
    %dma_start3A_11 = tpu.memref_slice %arg3[%dma_start3A_10] : memref<640000xi32, #tpu.memory_space<hbm>> -> memref<10000xi32, #tpu.memory_space<hbm>>
    %dma_start3A_12 = arith.constant 10000 : i32
    %dma_start3A_13 = tpu.memref_slice %arg3[%dma_start3A_12] : memref<640000xi32, #tpu.memory_space<hbm>> -> memref<10000xi32, #tpu.memory_space<hbm>>
    tpu.enqueue_dma source(%dma_start3A_13 : memref<10000xi32, #tpu.memory_space<hbm>>) target(%arg14 : memref<10000xi32, #tpu.memory_space<vmem>>) target_semaphore(%arg18 : memref<!tpu.dma_semaphore, #tpu.memory_space<semaphore_mem>>)
    %dma_start3A_14 = arith.constant 330000 : i32
    %dma_start3A_15 = tpu.memref_slice %arg3[%dma_start3A_14] : memref<640000xi32, #tpu.memory_space<hbm>> -> memref<10000xi32, #tpu.memory_space<hbm>>
    %dma_start3A_16 = arith.constant 330000 : i32
    %dma_start3A_17 = tpu.memref_slice %arg3[%dma_start3A_16] : memref<640000xi32, #tpu.memory_space<hbm>> -> memref<10000xi32, #tpu.memory_space<hbm>>
    tpu.enqueue_dma source(%dma_start3A_17 : memref<10000xi32, #tpu.memory_space<hbm>>) target(%arg16 : memref<10000xi32, #tpu.memory_space<vmem>>) target_semaphore(%arg18 : memref<!tpu.dma_semaphore, #tpu.memory_space<semaphore_mem>>)
    %add3A_18 = arith.constant 0 : i32
    %add3A_19 = arith.addi %mul3A_2, %add3A_18 : i32
    %mul3A_20 = arith.constant 10000 : i32
    %mul3A_21 = arith.muli %add3A_19, %mul3A_20 : i32
    %dma_start3A_22 = tpu.memref_slice %arg2[%mul3A_21] : memref<1280000xf32, #tpu.memory_space<hbm>> -> memref<10000xf32, #tpu.memory_space<hbm>>
    %dma_start3A_23 = tpu.memref_slice %arg2[%mul3A_21] : memref<1280000xf32, #tpu.memory_space<hbm>> -> memref<10000xf32, #tpu.memory_space<hbm>>
    tpu.enqueue_dma source(%dma_start3A_23 : memref<10000xf32, #tpu.memory_space<hbm>>) target(%arg5 : memref<10000xf32, #tpu.memory_space<vmem>>) target_semaphore(%arg19 : memref<!tpu.dma_semaphore, #tpu.memory_space<semaphore_mem>>)
    %add3A_24 = arith.constant 1 : i32
    %add3A_25 = arith.addi %mul3A_2, %add3A_24 : i32
    %mul3A_26 = arith.constant 10000 : i32
    %mul3A_27 = arith.muli %add3A_25, %mul3A_26 : i32
    %dma_start3A_28 = tpu.memref_slice %arg2[%mul3A_27] : memref<1280000xf32, #tpu.memory_space<hbm>> -> memref<10000xf32, #tpu.memory_space<hbm>>
    %dma_start3A_29 = tpu.memref_slice %arg2[%mul3A_27] : memref<1280000xf32, #tpu.memory_space<hbm>> -> memref<10000xf32, #tpu.memory_space<hbm>>
    tpu.enqueue_dma source(%dma_start3A_29 : memref<10000xf32, #tpu.memory_space<hbm>>) target(%arg6 : memref<10000xf32, #tpu.memory_space<vmem>>) target_semaphore(%arg19 : memref<!tpu.dma_semaphore, #tpu.memory_space<semaphore_mem>>)
    %add3A_30 = arith.constant 2 : i32
    %add3A_31 = arith.addi %mul3A_2, %add3A_30 : i32
    %mul3A_32 = arith.constant 10000 : i32
    %mul3A_33 = arith.muli %add3A_31, %mul3A_32 : i32
    %dma_start3A_34 = tpu.memref_slice %arg2[%mul3A_33] : memref<1280000xf32, #tpu.memory_space<hbm>> -> memref<10000xf32, #tpu.memory_space<hbm>>
    %dma_start3A_35 = tpu.memref_slice %arg2[%mul3A_33] : memref<1280000xf32, #tpu.memory_space<hbm>> -> memref<10000xf32, #tpu.memory_space<hbm>>
    tpu.enqueue_dma source(%dma_start3A_35 : memref<10000xf32, #tpu.memory_space<hbm>>) target(%arg7 : memref<10000xf32, #tpu.memory_space<vmem>>) target_semaphore(%arg19 : memref<!tpu.dma_semaphore, #tpu.memory_space<semaphore_mem>>)
    %add3A_36 = arith.constant 3 : i32
    %add3A_37 = arith.addi %mul3A_2, %add3A_36 : i32
    %mul3A_38 = arith.constant 10000 : i32
    %mul3A_39 = arith.muli %add3A_37, %mul3A_38 : i32
    %dma_start3A_40 = tpu.memref_slice %arg2[%mul3A_39] : memref<1280000xf32, #tpu.memory_space<hbm>> -> memref<10000xf32, #tpu.memory_space<hbm>>
    %dma_start3A_41 = tpu.memref_slice %arg2[%mul3A_39] : memref<1280000xf32, #tpu.memory_space<hbm>> -> memref<10000xf32, #tpu.memory_space<hbm>>
    tpu.enqueue_dma source(%dma_start3A_41 : memref<10000xf32, #tpu.memory_space<hbm>>) target(%arg8 : memref<10000xf32, #tpu.memory_space<vmem>>) target_semaphore(%arg19 : memref<!tpu.dma_semaphore, #tpu.memory_space<semaphore_mem>>)
    %parallel_loop3A = arith.constant 0 : i32
    %parallel_loop3A_42 = arith.constant 625 : i32
    %parallel_loop3A_43 = arith.constant 1 : i32
    scf.for %parallel_loop3A_87 = %parallel_loop3A to %parallel_loop3A_42 step %parallel_loop3A_43  : i32 {
      %parallel_loop3A_88 = arith.constant 0.000000e+00 : f32
      %parallel_loop3A_89 = vector.broadcast %parallel_loop3A_88 : f32 to vector<16xf32>
      %parallel_loop3A_90 = arith.constant 16 : i32
      %parallel_loop3A_91 = arith.muli %parallel_loop3A_87, %parallel_loop3A_90 : i32
      %parallel_loop3A_92 = arith.index_cast %parallel_loop3A_91 : i32 to index
      %parallel_loop3A_93 = tpu.vector_load %arg9[%parallel_loop3A_92] {strides = array<i32>} : memref<10000xf32, #tpu.memory_space<vmem>>, vector<16xf32>,
      tpu.vector_store %arg9[%parallel_loop3A_92], %parallel_loop3A_89 {strides = array<i32>} : memref<10000xf32, #tpu.memory_space<vmem>>, vector<16xf32>,
      %parallel_loop3A_94 = arith.constant 0.000000e+00 : f32
      %parallel_loop3A_95 = vector.broadcast %parallel_loop3A_94 : f32 to vector<16xf32>
      %parallel_loop3A_96 = arith.constant 16 : i32
      %parallel_loop3A_97 = arith.muli %parallel_loop3A_87, %parallel_loop3A_96 : i32
      %parallel_loop3A_98 = arith.index_cast %parallel_loop3A_97 : i32 to index
      %parallel_loop3A_99 = tpu.vector_load %arg10[%parallel_loop3A_98] {strides = array<i32>} : memref<10000xf32, #tpu.memory_space<vmem>>, vector<16xf32>,
      tpu.vector_store %arg10[%parallel_loop3A_98], %parallel_loop3A_95 {strides = array<i32>} : memref<10000xf32, #tpu.memory_space<vmem>>, vector<16xf32>,
      %parallel_loop3A_100 = arith.constant 0.000000e+00 : f32
      %parallel_loop3A_101 = vector.broadcast %parallel_loop3A_100 : f32 to vector<16xf32>
      %parallel_loop3A_102 = arith.constant 16 : i32
      %parallel_loop3A_103 = arith.muli %parallel_loop3A_87, %parallel_loop3A_102 : i32
      %parallel_loop3A_104 = arith.index_cast %parallel_loop3A_103 : i32 to index
      %parallel_loop3A_105 = tpu.vector_load %arg11[%parallel_loop3A_104] {strides = array<i32>} : memref<10000xf32, #tpu.memory_space<vmem>>, vector<16xf32>,
      tpu.vector_store %arg11[%parallel_loop3A_104], %parallel_loop3A_101 {strides = array<i32>} : memref<10000xf32, #tpu.memory_space<vmem>>, vector<16xf32>,
      %parallel_loop3A_106 = arith.constant 0.000000e+00 : f32
      %parallel_loop3A_107 = vector.broadcast %parallel_loop3A_106 : f32 to vector<16xf32>
      %parallel_loop3A_108 = arith.constant 16 : i32
      %parallel_loop3A_109 = arith.muli %parallel_loop3A_87, %parallel_loop3A_108 : i32
      %parallel_loop3A_110 = arith.index_cast %parallel_loop3A_109 : i32 to index
      %parallel_loop3A_111 = tpu.vector_load %arg12[%parallel_loop3A_110] {strides = array<i32>} : memref<10000xf32, #tpu.memory_space<vmem>>, vector<16xf32>,
      tpu.vector_store %arg12[%parallel_loop3A_110], %parallel_loop3A_107 {strides = array<i32>} : memref<10000xf32, #tpu.memory_space<vmem>>, vector<16xf32>,
    } {sc.loop_unroll_factor = 8 : i64, sc.parallel_access}
    %dma_wait3A = tpu.memref_slice %arg2[%mul3A_21] : memref<1280000xf32, #tpu.memory_space<hbm>> -> memref<10000xf32, #tpu.memory_space<hbm>>
    %dma_wait3A_44 = tpu.memref_slice %arg2[%mul3A_21] : memref<1280000xf32, #tpu.memory_space<hbm>> -> memref<10000xf32, #tpu.memory_space<hbm>>
    tpu.wait_dma2 semaphore(%arg19 : memref<!tpu.dma_semaphore, #tpu.memory_space<semaphore_mem>>) src(%dma_wait3A_44 : memref<10000xf32, #tpu.memory_space<hbm>>) dst(%arg5 : memref<10000xf32, #tpu.memory_space<vmem>>)
    %dma_wait3A_45 = tpu.memref_slice %arg2[%mul3A_27] : memref<1280000xf32, #tpu.memory_space<hbm>> -> memref<10000xf32, #tpu.memory_space<hbm>>
    %dma_wait3A_46 = tpu.memref_slice %arg2[%mul3A_27] : memref<1280000xf32, #tpu.memory_space<hbm>> -> memref<10000xf32, #tpu.memory_space<hbm>>
    tpu.wait_dma2 semaphore(%arg19 : memref<!tpu.dma_semaphore, #tpu.memory_space<semaphore_mem>>) src(%dma_wait3A_46 : memref<10000xf32, #tpu.memory_space<hbm>>) dst(%arg6 : memref<10000xf32, #tpu.memory_space<vmem>>)
    %dma_wait3A_47 = tpu.memref_slice %arg2[%mul3A_33] : memref<1280000xf32, #tpu.memory_space<hbm>> -> memref<10000xf32, #tpu.memory_space<hbm>>
    %dma_wait3A_48 = tpu.memref_slice %arg2[%mul3A_33] : memref<1280000xf32, #tpu.memory_space<hbm>> -> memref<10000xf32, #tpu.memory_space<hbm>>
    tpu.wait_dma2 semaphore(%arg19 : memref<!tpu.dma_semaphore, #tpu.memory_space<semaphore_mem>>) src(%dma_wait3A_48 : memref<10000xf32, #tpu.memory_space<hbm>>) dst(%arg7 : memref<10000xf32, #tpu.memory_space<vmem>>)
    %dma_wait3A_49 = tpu.memref_slice %arg2[%mul3A_39] : memref<1280000xf32, #tpu.memory_space<hbm>> -> memref<10000xf32, #tpu.memory_space<hbm>>
    %dma_wait3A_50 = tpu.memref_slice %arg2[%mul3A_39] : memref<1280000xf32, #tpu.memory_space<hbm>> -> memref<10000xf32, #tpu.memory_space<hbm>>
    tpu.wait_dma2 semaphore(%arg19 : memref<!tpu.dma_semaphore, #tpu.memory_space<semaphore_mem>>) src(%dma_wait3A_50 : memref<10000xf32, #tpu.memory_space<hbm>>) dst(%arg8 : memref<10000xf32, #tpu.memory_space<vmem>>)
    %scan3A = arith.constant 0 : i32
    %scan3A_51 = arith.constant 16 : i32
    %scan3A_52 = arith.addi %scan3A, %scan3A_51 : i32
    %scan3A_53 = arith.constant 1 : i32
    scf.for %scan3A_87 = %scan3A to %scan3A_52 step %scan3A_53  : i32 {
      %mul3A_88 = arith.constant 1 : i32
      %mul3A_89 = arith.muli %scan3A_87, %mul3A_88 : i32
      %add3A_90 = arith.constant 0 : i32
      %add3A_91 = arith.addi %add3A_90, %mul3A_89 : i32
      %mul3A_92 = arith.constant 2 : i32
      %mul3A_93 = arith.muli %add3A_91, %mul3A_92 : i32
      %add3A_94 = arith.constant 0 : i32
      %add3A_95 = arith.addi %mul3A_93, %add3A_94 : i32
      %dma_wait3A_96 = arith.constant 0 : i32
      %dma_wait3A_97 = tpu.memref_slice %arg3[%dma_wait3A_96] : memref<640000xi32, #tpu.memory_space<hbm>> -> memref<10000xi32, #tpu.memory_space<hbm>>
      %dma_wait3A_98 = arith.constant 0 : i32
      %dma_wait3A_99 = tpu.memref_slice %arg3[%dma_wait3A_98] : memref<640000xi32, #tpu.memory_space<hbm>> -> memref<10000xi32, #tpu.memory_space<hbm>>
      tpu.wait_dma2 semaphore(%arg17 : memref<!tpu.dma_semaphore, #tpu.memory_space<semaphore_mem>>) src(%dma_wait3A_99 : memref<10000xi32, #tpu.memory_space<hbm>>) dst(%arg13 : memref<10000xi32, #tpu.memory_space<vmem>>)
      %dma_wait3A_100 = arith.constant 0 : i32
      %dma_wait3A_101 = tpu.memref_slice %arg3[%dma_wait3A_100] : memref<640000xi32, #tpu.memory_space<hbm>> -> memref<10000xi32, #tpu.memory_space<hbm>>
      %dma_wait3A_102 = arith.constant 0 : i32
      %dma_wait3A_103 = tpu.memref_slice %arg3[%dma_wait3A_102] : memref<640000xi32, #tpu.memory_space<hbm>> -> memref<10000xi32, #tpu.memory_space<hbm>>
      tpu.wait_dma2 semaphore(%arg17 : memref<!tpu.dma_semaphore, #tpu.memory_space<semaphore_mem>>) src(%dma_wait3A_103 : memref<10000xi32, #tpu.memory_space<hbm>>) dst(%arg15 : memref<10000xi32, #tpu.memory_space<vmem>>)
      %parallel_loop3A_104 = arith.constant 0 : i32
      %parallel_loop3A_105 = arith.constant 625 : i32
      %parallel_loop3A_106 = arith.constant 1 : i32
      scf.for %parallel_loop3A_133 = %parallel_loop3A_104 to %parallel_loop3A_105 step %parallel_loop3A_106  : i32 {
        %parallel_loop3A_134 = arith.constant 16 : i32
        %parallel_loop3A_135 = arith.muli %parallel_loop3A_133, %parallel_loop3A_134 : i32
        %parallel_loop3A_136 = arith.index_cast %parallel_loop3A_135 : i32 to index
        %parallel_loop3A_137 = tpu.vector_load %arg13[%parallel_loop3A_136] {strides = array<i32>} : memref<10000xi32, #tpu.memory_space<vmem>>, vector<16xi32>,
        %parallel_loop3A_138 = arith.constant 16 : i32
        %parallel_loop3A_139 = arith.muli %parallel_loop3A_133, %parallel_loop3A_138 : i32
        %parallel_loop3A_140 = arith.index_cast %parallel_loop3A_139 : i32 to index
        %parallel_loop3A_141 = tpu.vector_load %arg15[%parallel_loop3A_140] {strides = array<i32>} : memref<10000xi32, #tpu.memory_space<vmem>>, vector<16xi32>,
        %parallel_loop3A_142 = tpu.vector_load_idx %arg5[%parallel_loop3A_137] : memref<10000xf32, #tpu.memory_space<vmem>>[vector<16xi32>], vector<16xf32>,
        tpu.vector_store_idx %arg9[%parallel_loop3A_141], %parallel_loop3A_142 {add = true} : memref<10000xf32, #tpu.memory_space<vmem>>[vector<16xi32>], vector<16xf32>,
        %parallel_loop3A_143 = tpu.vector_load_idx %arg6[%parallel_loop3A_137] : memref<10000xf32, #tpu.memory_space<vmem>>[vector<16xi32>], vector<16xf32>,
        tpu.vector_store_idx %arg10[%parallel_loop3A_141], %parallel_loop3A_143 {add = true} : memref<10000xf32, #tpu.memory_space<vmem>>[vector<16xi32>], vector<16xf32>,
        %parallel_loop3A_144 = tpu.vector_load_idx %arg7[%parallel_loop3A_137] : memref<10000xf32, #tpu.memory_space<vmem>>[vector<16xi32>], vector<16xf32>,
        tpu.vector_store_idx %arg11[%parallel_loop3A_141], %parallel_loop3A_144 {add = true} : memref<10000xf32, #tpu.memory_space<vmem>>[vector<16xi32>], vector<16xf32>,
        %parallel_loop3A_145 = tpu.vector_load_idx %arg8[%parallel_loop3A_137] : memref<10000xf32, #tpu.memory_space<vmem>>[vector<16xi32>], vector<16xf32>,
        tpu.vector_store_idx %arg12[%parallel_loop3A_141], %parallel_loop3A_145 {add = true} : memref<10000xf32, #tpu.memory_space<vmem>>[vector<16xi32>], vector<16xf32>,
      } {sc.loop_unroll_factor = 16 : i64, sc.parallel_access}
      %add3A_107 = arith.constant 2 : i32
      %add3A_108 = arith.addi %add3A_95, %add3A_107 : i32
      %lt3A = arith.constant 32 : i32
      %lt3A_109 = arith.cmpi slt, %add3A_108, %lt3A : i32
      %convert_element_type3A = arith.extui %lt3A_109 : i1 to i32
      %cond3A = arith.constant 0 : i32
      %cond3A_110 = arith.cmpi ne, %convert_element_type3A, %cond3A : i32
      scf.if %cond3A_110 {
        %mul3A_133 = arith.constant 10000 : i32
        %mul3A_134 = arith.muli %add3A_108, %mul3A_133 : i32
        %dma_start3A_135 = tpu.memref_slice %arg3[%mul3A_134] : memref<640000xi32, #tpu.memory_space<hbm>> -> memref<10000xi32, #tpu.memory_space<hbm>>
        %dma_start3A_136 = tpu.memref_slice %arg3[%mul3A_134] : memref<640000xi32, #tpu.memory_space<hbm>> -> memref<10000xi32, #tpu.memory_space<hbm>>
        tpu.enqueue_dma source(%dma_start3A_136 : memref<10000xi32, #tpu.memory_space<hbm>>) target(%arg13 : memref<10000xi32, #tpu.memory_space<vmem>>) target_semaphore(%arg17 : memref<!tpu.dma_semaphore, #tpu.memory_space<semaphore_mem>>)
        %add3A_137 = arith.constant 320000 : i32
        %add3A_138 = arith.addi %add3A_137, %mul3A_134 : i32
        %dma_start3A_139 = tpu.memref_slice %arg3[%add3A_138] : memref<640000xi32, #tpu.memory_space<hbm>> -> memref<10000xi32, #tpu.memory_space<hbm>>
        %dma_start3A_140 = tpu.memref_slice %arg3[%add3A_138] : memref<640000xi32, #tpu.memory_space<hbm>> -> memref<10000xi32, #tpu.memory_space<hbm>>
        tpu.enqueue_dma source(%dma_start3A_140 : memref<10000xi32, #tpu.memory_space<hbm>>) target(%arg15 : memref<10000xi32, #tpu.memory_space<vmem>>) target_semaphore(%arg17 : memref<!tpu.dma_semaphore, #tpu.memory_space<semaphore_mem>>)
      } else {
      }
      %mul3A_111 = arith.constant 2 : i32
      %mul3A_112 = arith.muli %add3A_91, %mul3A_111 : i32
      %add3A_113 = arith.constant 1 : i32
      %add3A_114 = arith.addi %mul3A_112, %add3A_113 : i32
      %dma_wait3A_115 = arith.constant 0 : i32
      %dma_wait3A_116 = tpu.memref_slice %arg3[%dma_wait3A_115] : memref<640000xi32, #tpu.memory_space<hbm>> -> memref<10000xi32, #tpu.memory_space<hbm>>
      %dma_wait3A_117 = arith.constant 0 : i32
      %dma_wait3A_118 = tpu.memref_slice %arg3[%dma_wait3A_117] : memref<640000xi32, #tpu.memory_space<hbm>> -> memref<10000xi32, #tpu.memory_space<hbm>>
      tpu.wait_dma2 semaphore(%arg18 : memref<!tpu.dma_semaphore, #tpu.memory_space<semaphore_mem>>) src(%dma_wait3A_118 : memref<10000xi32, #tpu.memory_space<hbm>>) dst(%arg14 : memref<10000xi32, #tpu.memory_space<vmem>>)
      %dma_wait3A_119 = arith.constant 0 : i32
      %dma_wait3A_120 = tpu.memref_slice %arg3[%dma_wait3A_119] : memref<640000xi32, #tpu.memory_space<hbm>> -> memref<10000xi32, #tpu.memory_space<hbm>>
      %dma_wait3A_121 = arith.constant 0 : i32
      %dma_wait3A_122 = tpu.memref_slice %arg3[%dma_wait3A_121] : memref<640000xi32, #tpu.memory_space<hbm>> -> memref<10000xi32, #tpu.memory_space<hbm>>
      tpu.wait_dma2 semaphore(%arg18 : memref<!tpu.dma_semaphore, #tpu.memory_space<semaphore_mem>>) src(%dma_wait3A_122 : memref<10000xi32, #tpu.memory_space<hbm>>) dst(%arg16 : memref<10000xi32, #tpu.memory_space<vmem>>)
      %parallel_loop3A_123 = arith.constant 0 : i32
      %parallel_loop3A_124 = arith.constant 625 : i32
      %parallel_loop3A_125 = arith.constant 1 : i32
      scf.for %parallel_loop3A_133 = %parallel_loop3A_123 to %parallel_loop3A_124 step %parallel_loop3A_125  : i32 {
        %parallel_loop3A_134 = arith.constant 16 : i32
        %parallel_loop3A_135 = arith.muli %parallel_loop3A_133, %parallel_loop3A_134 : i32
        %parallel_loop3A_136 = arith.index_cast %parallel_loop3A_135 : i32 to index
        %parallel_loop3A_137 = tpu.vector_load %arg14[%parallel_loop3A_136] {strides = array<i32>} : memref<10000xi32, #tpu.memory_space<vmem>>, vector<16xi32>,
        %parallel_loop3A_138 = arith.constant 16 : i32
        %parallel_loop3A_139 = arith.muli %parallel_loop3A_133, %parallel_loop3A_138 : i32
        %parallel_loop3A_140 = arith.index_cast %parallel_loop3A_139 : i32 to index
        %parallel_loop3A_141 = tpu.vector_load %arg16[%parallel_loop3A_140] {strides = array<i32>} : memref<10000xi32, #tpu.memory_space<vmem>>, vector<16xi32>,
        %parallel_loop3A_142 = tpu.vector_load_idx %arg5[%parallel_loop3A_137] : memref<10000xf32, #tpu.memory_space<vmem>>[vector<16xi32>], vector<16xf32>,
        tpu.vector_store_idx %arg9[%parallel_loop3A_141], %parallel_loop3A_142 {add = true} : memref<10000xf32, #tpu.memory_space<vmem>>[vector<16xi32>], vector<16xf32>,
        %parallel_loop3A_143 = tpu.vector_load_idx %arg6[%parallel_loop3A_137] : memref<10000xf32, #tpu.memory_space<vmem>>[vector<16xi32>], vector<16xf32>,
        tpu.vector_store_idx %arg10[%parallel_loop3A_141], %parallel_loop3A_143 {add = true} : memref<10000xf32, #tpu.memory_space<vmem>>[vector<16xi32>], vector<16xf32>,
        %parallel_loop3A_144 = tpu.vector_load_idx %arg7[%parallel_loop3A_137] : memref<10000xf32, #tpu.memory_space<vmem>>[vector<16xi32>], vector<16xf32>,
        tpu.vector_store_idx %arg11[%parallel_loop3A_141], %parallel_loop3A_144 {add = true} : memref<10000xf32, #tpu.memory_space<vmem>>[vector<16xi32>], vector<16xf32>,
        %parallel_loop3A_145 = tpu.vector_load_idx %arg8[%parallel_loop3A_137] : memref<10000xf32, #tpu.memory_space<vmem>>[vector<16xi32>], vector<16xf32>,
        tpu.vector_store_idx %arg12[%parallel_loop3A_141], %parallel_loop3A_145 {add = true} : memref<10000xf32, #tpu.memory_space<vmem>>[vector<16xi32>], vector<16xf32>,
      } {sc.loop_unroll_factor = 16 : i64, sc.parallel_access}
      %add3A_126 = arith.constant 2 : i32
      %add3A_127 = arith.addi %add3A_114, %add3A_126 : i32
      %lt3A_128 = arith.constant 32 : i32
      %lt3A_129 = arith.cmpi slt, %add3A_127, %lt3A_128 : i32
      %convert_element_type3A_130 = arith.extui %lt3A_129 : i1 to i32
      %cond3A_131 = arith.constant 0 : i32
      %cond3A_132 = arith.cmpi ne, %convert_element_type3A_130, %cond3A_131 : i32
      scf.if %cond3A_132 {
        %mul3A_133 = arith.constant 10000 : i32
        %mul3A_134 = arith.muli %add3A_127, %mul3A_133 : i32
        %dma_start3A_135 = tpu.memref_slice %arg3[%mul3A_134] : memref<640000xi32, #tpu.memory_space<hbm>> -> memref<10000xi32, #tpu.memory_space<hbm>>
        %dma_start3A_136 = tpu.memref_slice %arg3[%mul3A_134] : memref<640000xi32, #tpu.memory_space<hbm>> -> memref<10000xi32, #tpu.memory_space<hbm>>
        tpu.enqueue_dma source(%dma_start3A_136 : memref<10000xi32, #tpu.memory_space<hbm>>) target(%arg14 : memref<10000xi32, #tpu.memory_space<vmem>>) target_semaphore(%arg18 : memref<!tpu.dma_semaphore, #tpu.memory_space<semaphore_mem>>)
        %add3A_137 = arith.constant 320000 : i32
        %add3A_138 = arith.addi %add3A_137, %mul3A_134 : i32
        %dma_start3A_139 = tpu.memref_slice %arg3[%add3A_138] : memref<640000xi32, #tpu.memory_space<hbm>> -> memref<10000xi32, #tpu.memory_space<hbm>>
        %dma_start3A_140 = tpu.memref_slice %arg3[%add3A_138] : memref<640000xi32, #tpu.memory_space<hbm>> -> memref<10000xi32, #tpu.memory_space<hbm>>
        tpu.enqueue_dma source(%dma_start3A_140 : memref<10000xi32, #tpu.memory_space<hbm>>) target(%arg16 : memref<10000xi32, #tpu.memory_space<vmem>>) target_semaphore(%arg18 : memref<!tpu.dma_semaphore, #tpu.memory_space<semaphore_mem>>)
      } else {
      }
    }
    %scan3A_54 = arith.constant 16 : i32
    %add3A_55 = arith.constant 0 : i32
    %add3A_56 = arith.addi %mul3A_2, %add3A_55 : i32
    %mul3A_57 = arith.constant 10000 : i32
    %mul3A_58 = arith.muli %add3A_56, %mul3A_57 : i32
    %dma_start3A_59 = tpu.memref_slice %arg4[%mul3A_58] : memref<1280000xf32, #tpu.memory_space<hbm>> -> memref<10000xf32, #tpu.memory_space<hbm>>
    %dma_start3A_60 = tpu.memref_slice %arg4[%mul3A_58] : memref<1280000xf32, #tpu.memory_space<hbm>> -> memref<10000xf32, #tpu.memory_space<hbm>>
    tpu.enqueue_dma source(%arg9 : memref<10000xf32, #tpu.memory_space<vmem>>) target(%dma_start3A_60 : memref<10000xf32, #tpu.memory_space<hbm>>) target_semaphore(%arg19 : memref<!tpu.dma_semaphore, #tpu.memory_space<semaphore_mem>>)
    %add3A_61 = arith.constant 1 : i32
    %add3A_62 = arith.addi %mul3A_2, %add3A_61 : i32
    %mul3A_63 = arith.constant 10000 : i32
    %mul3A_64 = arith.muli %add3A_62, %mul3A_63 : i32
    %dma_start3A_65 = tpu.memref_slice %arg4[%mul3A_64] : memref<1280000xf32, #tpu.memory_space<hbm>> -> memref<10000xf32, #tpu.memory_space<hbm>>
    %dma_start3A_66 = tpu.memref_slice %arg4[%mul3A_64] : memref<1280000xf32, #tpu.memory_space<hbm>> -> memref<10000xf32, #tpu.memory_space<hbm>>
    tpu.enqueue_dma source(%arg10 : memref<10000xf32, #tpu.memory_space<vmem>>) target(%dma_start3A_66 : memref<10000xf32, #tpu.memory_space<hbm>>) target_semaphore(%arg19 : memref<!tpu.dma_semaphore, #tpu.memory_space<semaphore_mem>>)
    %add3A_67 = arith.constant 2 : i32
    %add3A_68 = arith.addi %mul3A_2, %add3A_67 : i32
    %mul3A_69 = arith.constant 10000 : i32
    %mul3A_70 = arith.muli %add3A_68, %mul3A_69 : i32
    %dma_start3A_71 = tpu.memref_slice %arg4[%mul3A_70] : memref<1280000xf32, #tpu.memory_space<hbm>> -> memref<10000xf32, #tpu.memory_space<hbm>>
    %dma_start3A_72 = tpu.memref_slice %arg4[%mul3A_70] : memref<1280000xf32, #tpu.memory_space<hbm>> -> memref<10000xf32, #tpu.memory_space<hbm>>
    tpu.enqueue_dma source(%arg11 : memref<10000xf32, #tpu.memory_space<vmem>>) target(%dma_start3A_72 : memref<10000xf32, #tpu.memory_space<hbm>>) target_semaphore(%arg19 : memref<!tpu.dma_semaphore, #tpu.memory_space<semaphore_mem>>)
    %add3A_73 = arith.constant 3 : i32
    %add3A_74 = arith.addi %mul3A_2, %add3A_73 : i32
    %mul3A_75 = arith.constant 10000 : i32
    %mul3A_76 = arith.muli %add3A_74, %mul3A_75 : i32
    %dma_start3A_77 = tpu.memref_slice %arg4[%mul3A_76] : memref<1280000xf32, #tpu.memory_space<hbm>> -> memref<10000xf32, #tpu.memory_space<hbm>>
    %dma_start3A_78 = tpu.memref_slice %arg4[%mul3A_76] : memref<1280000xf32, #tpu.memory_space<hbm>> -> memref<10000xf32, #tpu.memory_space<hbm>>
    tpu.enqueue_dma source(%arg12 : memref<10000xf32, #tpu.memory_space<vmem>>) target(%dma_start3A_78 : memref<10000xf32, #tpu.memory_space<hbm>>) target_semaphore(%arg19 : memref<!tpu.dma_semaphore, #tpu.memory_space<semaphore_mem>>)
    %dma_wait3A_79 = tpu.memref_slice %arg4[%mul3A_58] : memref<1280000xf32, #tpu.memory_space<hbm>> -> memref<10000xf32, #tpu.memory_space<hbm>>
    %dma_wait3A_80 = tpu.memref_slice %arg4[%mul3A_58] : memref<1280000xf32, #tpu.memory_space<hbm>> -> memref<10000xf32, #tpu.memory_space<hbm>>
    tpu.wait_dma2 semaphore(%arg19 : memref<!tpu.dma_semaphore, #tpu.memory_space<semaphore_mem>>) src(%arg9 : memref<10000xf32, #tpu.memory_space<vmem>>) dst(%dma_wait3A_80 : memref<10000xf32, #tpu.memory_space<hbm>>)
    %dma_wait3A_81 = tpu.memref_slice %arg4[%mul3A_64] : memref<1280000xf32, #tpu.memory_space<hbm>> -> memref<10000xf32, #tpu.memory_space<hbm>>
    %dma_wait3A_82 = tpu.memref_slice %arg4[%mul3A_64] : memref<1280000xf32, #tpu.memory_space<hbm>> -> memref<10000xf32, #tpu.memory_space<hbm>>
    tpu.wait_dma2 semaphore(%arg19 : memref<!tpu.dma_semaphore, #tpu.memory_space<semaphore_mem>>) src(%arg10 : memref<10000xf32, #tpu.memory_space<vmem>>) dst(%dma_wait3A_82 : memref<10000xf32, #tpu.memory_space<hbm>>)
    %dma_wait3A_83 = tpu.memref_slice %arg4[%mul3A_70] : memref<1280000xf32, #tpu.memory_space<hbm>> -> memref<10000xf32, #tpu.memory_space<hbm>>
    %dma_wait3A_84 = tpu.memref_slice %arg4[%mul3A_70] : memref<1280000xf32, #tpu.memory_space<hbm>> -> memref<10000xf32, #tpu.memory_space<hbm>>
    tpu.wait_dma2 semaphore(%arg19 : memref<!tpu.dma_semaphore, #tpu.memory_space<semaphore_mem>>) src(%arg11 : memref<10000xf32, #tpu.memory_space<vmem>>) dst(%dma_wait3A_84 : memref<10000xf32, #tpu.memory_space<hbm>>)
    %dma_wait3A_85 = tpu.memref_slice %arg4[%mul3A_76] : memref<1280000xf32, #tpu.memory_space<hbm>> -> memref<10000xf32, #tpu.memory_space<hbm>>
    %dma_wait3A_86 = tpu.memref_slice %arg4[%mul3A_76] : memref<1280000xf32, #tpu.memory_space<hbm>> -> memref<10000xf32, #tpu.memory_space<hbm>>
    tpu.wait_dma2 semaphore(%arg19 : memref<!tpu.dma_semaphore, #tpu.memory_space<semaphore_mem>>) src(%arg12 : memref<10000xf32, #tpu.memory_space<vmem>>) dst(%dma_wait3A_86 : memref<10000xf32, #tpu.memory_space<hbm>>)
    return
  }
}

module attributes {stable_mosaic.version = 14 : i64} {
  func.func @body(%arg0: memref<128x10000xf32, #tpu.memory_space<vmem>>, %arg1: memref<128x128xf32, #tpu.memory_space<vmem>>, %arg2: memref<1x128xf32, #tpu.memory_space<vmem>>, %arg3: memref<10000x128xf32, #tpu.memory_space<vmem>>) attributes {dimension_semantics = [], scalar_prefetch = 0 : i64, scratch_operands = 0 : i64, tpu.core_type = #tpu.core_type<tc>} {
    %get3A = arith.constant 0 : index
    %get3A_0 = arith.constant 0 : index
    %get3A_1 = vector.load %arg0[%get3A, %get3A_0] : memref<128x10000xf32, #tpu.memory_space<vmem>>, vector<128x10000xf32>
    %get3A_2 = arith.constant 0 : index
    %get3A_3 = arith.constant 0 : index
    %get3A_4 = vector.load %arg1[%get3A_2, %get3A_3] : memref<128x128xf32, #tpu.memory_space<vmem>>, vector<128x128xf32>
    %dot_general3A = arith.constant dense<0.000000e+00> : vector<10000x128xf32>
    %dot_general3A_5 = tpu.matmul %get3A_1, %get3A_4, %dot_general3A {dimension_numbers = #tpu.dot_dimension_numbers<[0], [1], [1], [0], [0, 1, 1, 0], [], []>, transpose_lhs_hint = false} : vector<128x10000xf32>, vector<128x128xf32>, vector<10000x128xf32> -> vector<10000x128xf32>
    %get3A_6 = arith.constant 0 : index
    %get3A_7 = arith.constant 0 : index
    %get3A_8 = vector.load %arg2[%get3A_6, %get3A_7] : memref<1x128xf32, #tpu.memory_space<vmem>>, vector<1x128xf32>
    %add3A = vector.broadcast %get3A_8 : vector<1x128xf32> to vector<10000x128xf32>
    %add3A_9 = arith.addf %dot_general3A_5, %add3A : vector<10000x128xf32>
    %swap3A = arith.constant 0 : index
    %swap3A_10 = arith.constant 0 : index
    %swap3A_11 = vector.load %arg3[%swap3A, %swap3A_10] : memref<10000x128xf32, #tpu.memory_space<vmem>>, vector<10000x128xf32>
    tpu.vector_store %arg3[%swap3A, %swap3A_10], %add3A_9 {strides = array<i32>} : memref<10000x128xf32, #tpu.memory_space<vmem>>, vector<10000x128xf32>,
    return
  }
}

</mosaic_0001>

<sc_bundles>
// kernel: kernel.4.cloned.1.call-start
scs
__scs_entry_jumppad:
0x0: {  	(pc) =	sbr.rel $0x88, $3  }
0x1: {  	(tag) =	ssettag $0x0;
	lr =	simm.s32 $0x1  }
0x2: {  	[smem:$0x3F9D] =	sst lr;
	_ =	strace $0xD0000000  }
0x3: {  	_ = 	snop  }
0x4: {  	_ = 	snop  }
0x5: {  	_ = 	snop  }
0x6: {  	_ = 	snop  }
0x7: {  	_ = 	snop  }
__scs_overlays_trampoline_lowered:
0x8: {  	[smem:$0x3FAC] =	sst s0  }
0x9: {  	[smem:$0x3FAD] =	sst s1  }
0xa: {  	[smem:$0x3FAE] =	sst s2  }
0xb: {  	[smem:$0x3FAF] =	sst s3  }
0xc: {  	[smem:$0x3FB0] =	sst s4  }
0xd: {  	[smem:$0x3FB1] =	sst s5  }
0xe: {  	[smem:$0x3FB2] =	sst s6  }
0xf: {  	[smem:$0x3FB3] =	sst s7  }
0x10: {  	[smem:$0x3FB4] =	sst s8  }
0x11: {  	[smem:$0x3FB5] =	sst s9;
	s0 =	simm.s32 @!p0 $0x0  }
0x12: {  	s1 =	sld [smem:$0x3F9B];
	s0 =	simm.s32 @p0 $0x1  }
0x13: {  	[smem:$0x3FB6] =	sst s0;
	s0 =	simm.s32 @!p1 $0x0  }
0x14: {  	s2 =	sld [smem:$0x3F9A];
	s0 =	simm.s32 @p1 $0x1  }
0x15: {  	[smem:$0x3FB7] =	sst s0;
	s0 =	simm.s32 @!p2 $0x0  }
0x16: {  	s3 =	sld [smem:$0x3FDB];
	s0 =	simm.s32 @p2 $0x1  }
0x17: {  	s4 =	simm.s32 $0x1BF5;
	[smem:$0x3FB9] =	sst s0  }
0x18: {  	s0 =	sld [smem:$0x3F9C];
	_ =	swait.ge [sflag:s4], $0x0  }
0x19: {  	s7 =	sld [smem:$0x3F9D]  }
0x1a: {  	s8 =	sadd.s32 $0xFFFFE003, lr  }
0x1b: {  	s9 =	sadd.s32 $0xFFFFFEF7, lr;
	s5 =	simm.s32 $0xFFFFFFFF;
	p2 =	slt.u32 s8, $0xFFFFF086  }
0x1c: {  	p1 =	slt.u32 s9, $0xF7A;
	s5 =	simm.s32 @!p2 $0x0  }
0x1d: {  	s5 =	simm.s32 @p1 $0x1;
	p0 =	seq.s32 s7, s2  }
0x1e: {  	s7 =	smul.u32 @!p0 $0xF7A, s2;
	p2 =	seq.s32 @!p0 s5, $0x0  }
0x1f: {  	s9 =	smul.u32 $0xF7A, s1;
	s8 =	simm.s32 @!p0 $0x1BF5;
	p2 =	por !p2, p0  }
0x20: {  	[sflag:s8] =	ssyncset.s32 @!p0 $0xFFFFF086;
	s6 =	sadd.s32 @!p0 s3, s7;
	s7 =	simm.s32 @!p0 $0x108  }
0x21: {  	s3 =	sadd.s32 s3, s9;
	s6 =	sadd.s32 @!p0 $0x88, s6;
	s7 =	simm.s32 @p2 $0x1082  }
0x22: {  	[simem:s7], [sflag:s8] =	dma.local @!p0 [hbm:s6], $0xF7A  }
0x23: {  	s9 =	sor.u32 $0xD0000000, s2;
	s6 =	simm.s32 $0x108;
	_ =	swait.ge @!p0 [sflag:s8], $0x0  }
0x24: {  	s3 =	sadd.s32 $0x88, s3;
	s6 =	simm.s32 @!p1 $0x1082;
	[sflag:s4] =	ssyncset.s32 $0xFFFFF086  }
0x25: {  	[simem:s6], [sflag:s4] =	dma.local [hbm:s3], $0xF7A  }
0x26: {  	[smem:$0x3F9D] =	sst s1;
	(tag) =	ssettag s2;
	_ =	strace s9  }
0x27: {  	s1 =	sld [smem:$0x3FAD]  }
0x28: {  	s2 =	sld [smem:$0x3FAE]  }
0x29: {  	s4 =	sld [smem:$0x3FB0]  }
0x2a: {  	p0 =	seq.s32 s5, $0x0;
	s5 =	sld [smem:$0x3FB1]  }
0x2b: {  	s6 =	sld [smem:$0x3FB2]  }
0x2c: {  	s7 =	sld [smem:$0x3FB3]  }
0x2d: {  	s3 =	simm.s32 $0x108;
	s8 =	sld [smem:$0x3FB4]  }
0x2e: {  	s3 =	simm.s32 @!p0 $0x1082;
	s9 =	sld [smem:$0x3FB5]  }
0x2f: {  	lr =	sadd.s32 s0, s3;
	s0 =	sld [smem:$0x3FAC]  }
0x30: {  	s3 =	sld [smem:$0x3FAF]  }
0x31: {  	[smem:$0x3FB8] =	sst s10  }
0x32: {  	s10 =	sld [smem:$0x3FB6];
	_ =	sdelay $0x3  }
0x33: {  	p0 =	seq.s32 s10, $0x1;
	s10 =	sld [smem:$0x3FB8];
	_ =	sdelay $0x3  }
0x34: {  	[smem:$0x3FB8] =	sst s10  }
0x35: {  	s10 =	sld [smem:$0x3FB7];
	_ =	sdelay $0x3  }
0x36: {  	p1 =	seq.s32 s10, $0x1;
	s10 =	sld [smem:$0x3FB8];
	_ =	sdelay $0x3  }
0x37: {  	[smem:$0x3FB8] =	sst s10  }
0x38: {  	s10 =	sld [smem:$0x3FB9]  }
0x39: {  	_ = 	snop;
	(pc) =	sbr.ind lr, $3  }
0x3a: {  	_ = 	snop  }
0x3b: {  	_ = 	snop  }
0x3c: {  	p2 =	seq.s32 s10, $0x1;
	s10 =	sld [smem:$0x3FB8]  }
0x3d: {  	_ =	shalt  }
0x3e: {  	_ =	shalt  }
0x3f: {  	_ =	shalt  }
0x40: {  	_ =	shalt  }
0x41: {  	_ =	shalt  }
0x42: {  	_ =	shalt  }
0x43: {  	_ =	shalt  }
0x44: {  	_ =	shalt  }
0x45: {  	_ =	shalt  }
0x46: {  	_ =	shalt  }
0x47: {  	_ =	shalt  }
0x48: {  	_ =	shalt  }
0x49: {  	_ =	shalt  }
0x4a: {  	_ =	shalt  }
0x4b: {  	_ =	shalt  }
0x4c: {  	_ =	shalt  }
0x4d: {  	_ =	shalt  }
0x4e: {  	_ =	shalt  }
0x4f: {  	_ =	shalt  }
0x50: {  	_ =	shalt  }
0x51: {  	_ =	shalt  }
0x52: {  	_ =	shalt  }
0x53: {  	_ =	shalt  }
0x54: {  	_ =	shalt  }
0x55: {  	_ =	shalt  }
0x56: {  	_ =	shalt  }
0x57: {  	_ =	shalt  }
0x58: {  	_ =	shalt  }
0x59: {  	_ =	shalt  }
0x5a: {  	_ =	shalt  }
0x5b: {  	_ =	shalt  }
0x5c: {  	_ =	shalt  }
0x5d: {  	_ =	shalt  }
0x5e: {  	_ =	shalt  }
0x5f: {  	_ =	shalt  }
0x60: {  	_ =	shalt  }
0x61: {  	_ =	shalt  }
0x62: {  	_ =	shalt  }
0x63: {  	_ =	shalt  }
0x64: {  	_ =	shalt  }
0x65: {  	_ =	shalt  }
0x66: {  	_ =	shalt  }
0x67: {  	_ =	shalt  }
0x68: {  	_ =	shalt  }
0x69: {  	_ =	shalt  }
0x6a: {  	_ =	shalt  }
0x6b: {  	_ =	shalt  }
0x6c: {  	_ =	shalt  }
0x6d: {  	_ =	shalt  }
0x6e: {  	_ =	shalt  }
0x6f: {  	_ =	shalt  }
0x70: {  	_ =	shalt  }
0x71: {  	_ =	shalt  }
0x72: {  	_ =	shalt  }
0x73: {  	_ =	shalt  }
0x74: {  	_ =	shalt  }
0x75: {  	_ =	shalt  }
0x76: {  	_ =	shalt  }
0x77: {  	_ =	shalt  }
0x78: {  	_ =	shalt  }
0x79: {  	_ =	shalt  }
0x7a: {  	_ =	shalt  }
0x7b: {  	_ =	shalt  }
0x7c: {  	_ =	shalt  }
0x7d: {  	_ =	shalt  }
0x7e: {  	_ =	shalt  }
0x7f: {  	_ =	shalt  }
0x80: {  	_ =	shalt  }
0x81: {  	_ =	shalt  }
0x82: {  	_ =	shalt  }
0x83: {  	_ =	shalt  }
0x84: {  	_ =	shalt  }
0x85: {  	_ =	shalt  }
0x86: {  	_ =	shalt  }
0x87: {  	_ =	shalt  }
.Lfunc_end0:
.L_simem_size_0:
called_computation_lowered:
.L_overlay_start_0:
0x88: {  	s2 =	sld [smem:$0x3FD9]  }
0x89: {  	s3 =	sld [smem:$0x3FFE];
	_ =	sdelay $0x1  }
0x8a: {  	s1 =	srdreg.scid  }
0x8b: {  	s0 =	sand.u32 $0x1, s1  }
0x8c: {  	s17 =	sshll.u32 s0, $0xA;
	s2 =	sadd.s32 s3, s2  }
0x8d: {  	s2 =	sadd.s32 s2, s17  }
0x8e: {  	[smem:$0x3FC4] =	sst s2  }
0x8f: {  	_ = 	snop  }
0x90: {  	s2 =	sld [smem:$0x3FD0];
	(tm) =	ssettm $0x1  }
0x91: {  	s18 =	sld [smem:$0x3FFB];
	_ =	sdelay $0x3  }
0x92: {  	_ =	strace s18  }
0x93: {  	s3 =	sld [smem:$0x3FFC];
	_ =	sdelay $0x3  }
0x94: {  	_ =	strace s3  }
0x95: {  	s3 =	sld [smem:$0x3FFD];
	_ =	sdelay $0x3  }
0x96: {  	_ =	strace s3  }
0x97: {  	_ =	strace $0x8FFFFFFF  }
0x98: {  	s19 =	sld [smem:$0x3FDB];
	_ =	sdelay $0x1  }
0x99: {  	s4 =	simm.s32 $_scs_section_size  }
0x9a: {  	s5 =	simm.s32 $_size__tile_overlayer_lowered;
	s6 =	simm.s32 $_tile_overlayer_lowered  }
0x9b: {  	s22 =	simm.s32 $0x1BFF;
	s21 =	sshll.u32 s6, $0x1;
	s3 =	sadd.s32 s4, s19  }
0x9c: {  	s7 =	simm.s32 $0x0;
	s20 =	sshll.u32 s5, $0x1;
	s5 =	sadd.s32 s21, s3  }
0x9d: {  	[timem:s7], [sflag:s22] =	dma.local [hbm:s5], s20  }
0x9e: {  	_ =	swait.ge [sflag:s22], s20  }
0x9f: {  	s4 =	ssub.s32 $0x0, s20;
	[sflag:s22] =	ssyncset.done $0x0  }
0xa0: {  	[sflag:s22] =	ssyncadd.s32 s4;
	_ =	sdelay $0x1  }
0xa1: {  	s23 =	simm.s32 $0x1B8B  }
0xa2: {  	_ =	swait.ge [sflag:s23], $0x1  }
0xa3: {  	[sflag:s23] =	ssyncset.done $0x0  }
0xa4: {  	s25 =	simm.s32 $0x1B8E;
	s24 =	sld [smem:$0x3FFE];
	[sflag:s23] =	ssyncadd.s32 $0xFFFFFFFF  }
0xa5: {  	s26 =	simm.s32 $execute0_lowered;
	[smem:$0x3FD2] =	sst s25  }
0xa6: {  	s5 =	sshll.u32 s26, $0x1;
	_ =	strace $0x80000046;
	[dreg:$0x1] =	wrdreg $0xFFFFFFFF  }
0xa7: {  	s28 =	simm.s32 $_size_execute0_lowered;
	s3 =	sadd.s32 s3, s5;
	[dreg:$0x0] =	wrdreg $0x0  }
0xa8: {  	s5 =	sshll.u32 s28, $0x1;
	[dreg:$0x2] =	wrdreg s3  }
0xa9: {  	[dreg:$0x3] =	wrdreg s5  }
0xaa: {  	[dreg:$0x4] =	wrdreg $0xC0  }
0xab: {  	_ =	task [dreg:s7], $0x5FFFF  }
0xac: {  	[dreg:$0x1] =	wrdreg $0xFFFFFFFF  }
0xad: {  	[dreg:$0x0] =	wrdreg $0x60  }
0xae: {  	[dreg:$0x2] =	wrdreg s2  }
0xaf: {  	[dreg:$0x3] =	wrdreg s24  }
0xb0: {  	[dreg:$0x4] =	wrdreg $0x9  }
0xb1: {  	_ =	task.clear_ibuf [dreg:s7], $0x5FFFF;
	_ =	strace $0x90000046  }
0xb2: {  	s29 =	simm.s32 $0x9;
	_ =	strace $0x80000048  }
0xb3: {  	_ =	swait.ge [sflag:s29], $0x1  }
0xb4: {  	[sflag:s29] =	ssyncadd.s32 $0xFFFFFFFF  }
0xb5: {  	_ =	strace $0x90000048  }
0xb6: {  	_ =	sfence  }
0xb7: {  	s30 =	sld [smem:$0x0];
	_ =	sdelay $0x2  }
0xb8: {  	s31 =	sshll.u32 s1, $0xD;
	s1 =	sshrl.u32 s1, $0x2  }
0xb9: {  	s3 =	sand.u32 $0x4000, s31;
	s1 =	sadd.s32 s1, s30  }
0xba: {  	s0 =	sor.u32 s3, s0;
	s1 =	sshll.u32 s1, $0x11  }
0xbb: {  	s0 =	sor.u32 s1, s0  }
0xbc: {  	s0 =	sadd.s32 $0x8F2B, s0  }
0xbd: {  	[sflag:s0] =	ssyncadd.remote.s32 $0x1  }
0xbe: {  	_ =	sfence.sel $0xFFFF  }
0xbf: {  	[dreg:$0x0] =	wrdreg $0xFFFFFFFF;
	(pc) =	sbr.abs _section_cstart, $3  }
0xc0: {  	[dreg:$0x1] =	wrdreg $0xFFFFFFFF  }
0xc1: {  	_ =	task.clear_ibuf [dreg:s7], $0x2FFFF;
	_ =	strace $0x9FFFFFFF  }
0xc2: {  	(tm) =	ssettm $0x7FFFFFFF  }
0xc3: {  	_ =	shalt  }
tec
execute0_lowered:
.L_overlay_start_1:
0x0: {  	(tag) =	ssettag $0x1  }
0x1: {  	s0 =	rddreg [dreg:$0x0]  }
0x2: {  	s1 =	rddreg [dreg:$0x1]  }
0x3: {  	s2 =	simm.s32 $0x0;
	s3 =	srdreg.scid;
	s5 =	stileid.u32  }
0x4: {  	s18 =	simm.s32 $0x16380;
	s19 =	simm.s32 $0x1B280;
	s20 =	simm.s32 $0x2780  }
0x5: {  	s21 =	simm.s32 $0x4F00;
	s22 =	simm.s32 $0x7680;
	s28 =	simm.s32 $0xED00  }
0x6: {  	s29 =	simm.s32 $0x11480;
	s30 =	simm.s32 $0x2;
	[smem:$0x7FF] =	sst s2  }
0x7: {  	s4 =	sand.u32 $0x1, s3;
	s5 =	sshll.u32 s5, $0x1;
	s3 =	sadd.s32 $0xA00, s1  }
0x8: {  	s23 =	sadd.s32 $0x14400, s1;
	s24 =	sadd.s32 $0xA640, s1;
	s25 =	sadd.s32 $0xEE2, s1  }
0x9: {  	s1 =	sadd.s32 $0xAB22, s1;
	_ =	strace $0x80000047;
	[dreg:$0x3] =	wrdreg s24  }
0xa: {  	s6 =	ssub.s32 $0x2, s4;
	s4 =	sor.u32 s4, s5;
	[dreg:$0x4] =	wrdreg s25  }
0xb: {  	s31 =	simm.s32 $0x0;
	[dreg:$0x5] =	wrdreg s1;
	s8 =	smul.u32 $0x9C40, s4  }
0xc: {  	s24 =	simm.s32 $0x1;
	s7 =	sshrl.u32 s6, $0x1;
	s4 =	smul.u32 $0x1388, s4  }
0xd: {  	s25 =	simm.s32 $0x9E00;
	s6 =	ssub.s32 s6, s7;
	s26 =	sshrl.u32 s8, $0x3  }
.Ltmp0:
0xe: {  	s7 =	sadd.s32 s0, s4;
	s11 =	sadd.s32 s23, s4;
	(pc) =	sbr.rel .LBB2_1-.Ltmp0, $4  }
0xf: {  	s15 =	smax.u32 s6, $0x1;
	s12 =	sadd.s32 $0x4E2, s26;
	s13 =	sadd.s32 $0x9C4, s26  }
0x10: {  	s1 =	sadd.s32 $0xEA6, s26;
	s26 =	simm.s32 $0xC580;
	s8 =	sadd.s32 s0, s12  }
0x11: {  	s9 =	sadd.s32 s0, s13;
	s10 =	sadd.s32 s0, s1;
	s12 =	sadd.s32 s23, s12  }
0x12: {  	v0 =	vimm.f32 $0.0e+00;
	s13 =	sadd.s32 s23, s13;
	s14 =	sadd.s32 s23, s1;
	s23 =	simm.s32 $0x3  }
.LBB2_10:
0x13: {  	[hbm4b:s11+s2] =	stream.linear.scatter [tilespmem:s25], [sflag:$0x3], $0x2710, $0x38;
	[tilespmem:$0x1DA00] =	vst v63  }
0x14: {  	_ = 	snop  }
0x15: {  	[hbm4b:s12+s2] =	stream.linear.scatter [tilespmem:s26], [sflag:$0x3], $0x2710, $0x38;
	[tilespmem:$0x1DA00] =	vst v63  }
0x16: {  	_ = 	snop  }
0x17: {  	[hbm4b:s13+s2] =	stream.linear.scatter [tilespmem:s28], [sflag:$0x3], $0x2710, $0x38;
	[tilespmem:$0x1DA00] =	vst v63  }
0x18: {  	_ = 	snop  }
0x19: {  	[hbm4b:s14+s2] =	stream.linear.scatter [tilespmem:s29], [sflag:$0x3], $0x2710, $0x38;
	[tilespmem:$0x1DA00] =	vst v63  }
0x1a: {  	_ =	swait.ge [sflag:s23], $0x2710  }
0x1b: {  	[sflag:s23] =	ssyncset.done $0x0  }
0x1c: {  	[sflag:s23] =	ssyncadd.s32 $0xFFFFD8F0  }
0x1d: {  	_ =	swait.ge [sflag:s23], $0x2710  }
0x1e: {  	[sflag:s23] =	ssyncset.done $0x0  }
0x1f: {  	s31 =	sadd.s32 $0x1, s31;
	[sflag:s23] =	ssyncadd.s32 $0xFFFFD8F0  }
0x20: {  	p0 =	sne.s32 s31, s15;
	_ =	swait.ge [sflag:s23], $0x2710  }
.Ltmp1:
0x21: {  	[sflag:s23] =	ssyncset.done $0x0;
	(pc) =	sbr.rel @!p0 .LBB2_11-.Ltmp1, $4  }
0x22: {  	[sflag:s23] =	ssyncadd.s32 $0xFFFFD8F0  }
0x23: {  	_ =	swait.ge [sflag:s23], $0x2710  }
0x24: {  	[sflag:s23] =	ssyncset.done $0x0  }
0x25: {  	[sflag:s23] =	ssyncadd.s32 $0xFFFFD8F0  }
.LBB2_1:
0x26: {  	s0 =	simm.s32 $0x13C00  }
0x27: {  	[tilespmem:s0], [sflag:$0x1] =	stream.linear.gather [hbm4b:s3+s2], $0x2710, $0x38;
	[tilespmem:$0x1DA00] =	vst v63  }
0x28: {  	s6 =	rddreg [dreg:$0x3];
	s1 =	simm.s32 $0x18B00  }
0x29: {  	[tilespmem:s1], [sflag:$0x1] =	stream.linear.gather [hbm4b:s6+s2], $0x2710, $0x38;
	[tilespmem:$0x1DA00] =	vst v63  }
0x2a: {  	s16 =	rddreg [dreg:$0x4]  }
0x2b: {  	[tilespmem:s18], [sflag:$0x2] =	stream.linear.gather [hbm4b:s16+s2], $0x2710, $0x38;
	[tilespmem:$0x1DA00] =	vst v63  }
0x2c: {  	s17 =	rddreg [dreg:$0x5]  }
0x2d: {  	[tilespmem:s19], [sflag:$0x2] =	stream.linear.gather [hbm4b:s17+s2], $0x2710, $0x38;
	[tilespmem:$0x1DA00] =	vst v63  }
0x2e: {  	_ = 	snop  }
0x2f: {  	[tilespmem:s2], [sflag:$0x3] =	stream.linear.gather [hbm4b:s7+s2], $0x2710, $0x38;
	[tilespmem:$0x1DA00] =	vst v63  }
0x30: {  	_ = 	snop  }
0x31: {  	[tilespmem:s20], [sflag:$0x3] =	stream.linear.gather [hbm4b:s8+s2], $0x2710, $0x38;
	[tilespmem:$0x1DA00] =	vst v63  }
0x32: {  	_ = 	snop  }
0x33: {  	[tilespmem:s21], [sflag:$0x3] =	stream.linear.gather [hbm4b:s9+s2], $0x2710, $0x38;
	[tilespmem:$0x1DA00] =	vst v63  }
0x34: {  	s16 =	simm.s32 $0x9E40  }
0x35: {  	[tilespmem:s22], [sflag:$0x3] =	stream.linear.gather [hbm4b:s10+s2], $0x2710, $0x38;
	[tilespmem:$0x1DA00] =	vst v63  }
0x36: {  	[tilespmem:s16+$0x30] =	vst v0  }
0x37: {  	[tilespmem:s16+$0xFFFFFFE0] =	vst v0  }
0x38: {  	[tilespmem:s16+$0xFFFFFFF0] =	vst v0  }
0x39: {  	[tilespmem:s16+$0x0] =	vst v0  }
0x3a: {  	[tilespmem:s16+$0xFFFFFFC0] =	vst v0  }
0x3b: {  	[tilespmem:s16+$0x10] =	vst v0  }
0x3c: {  	[tilespmem:s16+$0x20] =	vst v0  }
0x3d: {  	s1 =	simm.s32 $0xC5C0;
	[tilespmem:s16+$0xFFFFFFD0] =	vst v0  }
0x3e: {  	[tilespmem:s1+$0x30] =	vst v0  }
0x3f: {  	[tilespmem:s1+$0xFFFFFFC0] =	vst v0  }
0x40: {  	[tilespmem:s1+$0x10] =	vst v0  }
0x41: {  	[tilespmem:s1+$0xFFFFFFD0] =	vst v0  }
0x42: {  	[tilespmem:s1+$0x20] =	vst v0  }
0x43: {  	[tilespmem:s1+$0x0] =	vst v0  }
0x44: {  	s0 =	simm.s32 $0xED40;
	[tilespmem:s1+$0xFFFFFFF0] =	vst v0  }
0x45: {  	[tilespmem:s0+$0x30] =	vst v0  }
0x46: {  	[tilespmem:s0+$0xFFFFFFC0] =	vst v0  }
0x47: {  	[tilespmem:s0+$0x10] =	vst v0  }
0x48: {  	[tilespmem:s0+$0xFFFFFFD0] =	vst v0  }
0x49: {  	[tilespmem:s0+$0x20] =	vst v0  }
0x4a: {  	[tilespmem:s0+$0x0] =	vst v0  }
0x4b: {  	s17 =	simm.s32 $0x114C0;
	[tilespmem:s0+$0xFFFFFFF0] =	vst v0  }
0x4c: {  	[tilespmem:s17+$0x30] =	vst v0  }
0x4d: {  	[tilespmem:s17+$0xFFFFFFC0] =	vst v0  }
0x4e: {  	[tilespmem:s17+$0x10] =	vst v0  }
0x4f: {  	[tilespmem:s17+$0xFFFFFFD0] =	vst v0  }
0x50: {  	s4 =	simm.s32 $0x0;
	s5 =	simm.s32 $0xEDC0;
	s6 =	simm.s32 $0x11540;
	[tilespmem:s17+$0x20] =	vst v0  }
.LBB2_2:
0x51: {  	s4 =	sadd.s32 $0x8, s4;
	[tilespmem:s1+$0xFFFFFFE0] =	vst v0;
	s16 =	sadd.s32 $0x80, s16;
	s1 =	sadd.s32 $0x80, s1  }
0x52: {  	[tilespmem:s16+$0x30] =	vst v0;
	p0 =	slt.u32 s4, $0x268  }
0x53: {  	[tilespmem:s1+$0x30] =	vst v0  }
0x54: {  	[tilespmem:s5+$0x30] =	vst v0  }
0x55: {  	[tilespmem:s17+$0xFFFFFFF0] =	vst v0  }
0x56: {  	[tilespmem:s17+$0x0] =	vst v0  }
0x57: {  	[tilespmem:s0+$0xFFFFFFE0] =	vst v0;
	s0 =	smov.u32 s5  }
0x58: {  	[tilespmem:s17+$0xFFFFFFE0] =	vst v0;
	s17 =	smov.u32 s6  }
0x59: {  	[tilespmem:s6+$0x30] =	vst v0  }
0x5a: {  	[tilespmem:s16+$0xFFFFFFE0] =	vst v0  }
0x5b: {  	[tilespmem:s16+$0xFFFFFFF0] =	vst v0  }
0x5c: {  	[tilespmem:s16+$0x0] =	vst v0  }
0x5d: {  	[tilespmem:s16+$0xFFFFFFC0] =	vst v0  }
0x5e: {  	[tilespmem:s1+$0xFFFFFFC0] =	vst v0  }
0x5f: {  	[tilespmem:s5+$0xFFFFFFC0] =	vst v0  }
0x60: {  	[tilespmem:s6+$0xFFFFFFC0] =	vst v0  }
0x61: {  	[tilespmem:s16+$0x10] =	vst v0  }
0x62: {  	[tilespmem:s1+$0x10] =	vst v0  }
0x63: {  	[tilespmem:s5+$0x10] =	vst v0  }
0x64: {  	[tilespmem:s6+$0x10] =	vst v0  }
0x65: {  	[tilespmem:s16+$0x20] =	vst v0  }
0x66: {  	[tilespmem:s16+$0xFFFFFFD0] =	vst v0  }
0x67: {  	[tilespmem:s1+$0xFFFFFFD0] =	vst v0  }
0x68: {  	[tilespmem:s5+$0xFFFFFFD0] =	vst v0  }
0x69: {  	[tilespmem:s6+$0xFFFFFFD0] =	vst v0  }
0x6a: {  	[tilespmem:s1+$0x20] =	vst v0  }
0x6b: {  	[tilespmem:s5+$0x20] =	vst v0  }
.Ltmp2:
0x6c: {  	[tilespmem:s6+$0x20] =	vst v0;
	(pc) =	sbr.rel @p0 .LBB2_2-.Ltmp2, $4  }
0x6d: {  	[tilespmem:s1+$0x0] =	vst v0  }
0x6e: {  	[tilespmem:s5+$0x0] =	vst v0  }
0x6f: {  	[tilespmem:s1+$0xFFFFFFF0] =	vst v0  }
0x70: {  	s6 =	sadd.s32 $0x80, s6;
	s5 =	sadd.s32 $0x80, s5;
	[tilespmem:s0+$0xFFFFFFF0] =	vst v0  }
0x71: {  	[tilespmem:s1+$0xFFFFFFE0] =	vst v0  }
0x72: {  	[tilespmem:s17+$0xFFFFFFF0] =	vst v0  }
0x73: {  	[tilespmem:s17+$0x0] =	vst v0  }
0x74: {  	[tilespmem:s0+$0xFFFFFFE0] =	vst v0  }
0x75: {  	[tilespmem:s17+$0xFFFFFFE0] =	vst v0  }
0x76: {  	[tilespmem:$0xC500] =	vst v0  }
0x77: {  	[tilespmem:$0xEC80] =	vst v0  }
0x78: {  	[tilespmem:$0x11400] =	vst v0  }
0x79: {  	[tilespmem:$0x13B80] =	vst v0  }
0x7a: {  	_ =	swait.ge [sflag:s23], $0x2710  }
0x7b: {  	[sflag:s23] =	ssyncset.done $0x0  }
0x7c: {  	[sflag:s23] =	ssyncadd.s32 $0xFFFFD8F0  }
0x7d: {  	_ =	swait.ge [sflag:s23], $0x2710  }
0x7e: {  	[sflag:s23] =	ssyncset.done $0x0  }
0x7f: {  	[sflag:s23] =	ssyncadd.s32 $0xFFFFD8F0  }
0x80: {  	_ =	swait.ge [sflag:s23], $0x2710  }
0x81: {  	[sflag:s23] =	ssyncset.done $0x0  }
0x82: {  	[sflag:s23] =	ssyncadd.s32 $0xFFFFD8F0  }
0x83: {  	_ =	swait.ge [sflag:s23], $0x2710  }
0x84: {  	[sflag:s23] =	ssyncset.done $0x0  }
0x85: {  	s0 =	simm.s32 $0x0;
	[sflag:s23] =	ssyncadd.s32 $0xFFFFD8F0  }
.LBB2_4:
0x86: {  	_ =	swait.ge [sflag:s24], $0x2710  }
0x87: {  	[sflag:s24] =	ssyncset.done $0x0  }
0x88: {  	[sflag:s24] =	ssyncadd.s32 $0xFFFFD8F0  }
0x89: {  	_ =	swait.ge [sflag:s24], $0x2710  }
0x8a: {  	[sflag:s24] =	ssyncset.done $0x0  }
0x8b: {  	s4 =	simm.s32 $0x13C80;
	[sflag:s24] =	ssyncadd.s32 $0xFFFFD8F0  }
0x8c: {  	v7 =	vld [tilespmem:s4+$0x70]  }
0x8d: {  	v1 =	vld [tilespmem:s4+$0xFFFFFF90]  }
0x8e: {  	v2 =	vld [tilespmem:s4+$0xFFFFFFA0]  }
0x8f: {  	v3 =	vld [tilespmem:s4+$0xFFFFFFB0]  }
0x90: {  	v4 =	vld [tilespmem:s4+$0xFFFFFFC0]  }
0x91: {  	s1 =	simm.s32 $0x18B80;
	v5 =	vld [tilespmem:s4+$0xFFFFFFD0]  }
0x92: {  	v8 =	vld [tilespmem:s1+$0x70]  }
0x93: {  	v6 =	vld [tilespmem:s4+$0xFFFFFFE0]  }
0x94: {  	v10 =	vld [tilespmem:s4+$0xFFFFFFF0]  }
0x95: {  	v11 =	vld [tilespmem:s4+$0x0]  }
0x96: {  	v12 =	vld [tilespmem:s4+$0x10]  }
0x97: {  	v13 =	vld [tilespmem:s4+$0x20]  }
0x98: {  	v14 =	vld [tilespmem:s4+$0x30]  }
0x99: {  	v15 =	vld [tilespmem:s4+$0x40]  }
0x9a: {  	v16 =	vld [tilespmem:s4+$0x50]  }
0x9b: {  	v17 =	vld [tilespmem:s4+$0x60]  }
0x9c: {  	v18 =	vld [tilespmem:s4+$0xFFFFFF80]  }
0x9d: {  	v31 =	vld [tilespmem:s1+$0xFFFFFF80]  }
0x9e: {  	v32 =	vld [tilespmem:s1+$0xFFFFFF90]  }
0x9f: {  	v33 =	vld [tilespmem:s1+$0xFFFFFFA0]  }
0xa0: {  	v34 =	vld [tilespmem:s1+$0xFFFFFFB0]  }
0xa1: {  	v35 =	vld [tilespmem:s1+$0xFFFFFFC0]  }
0xa2: {  	v36 =	vld [tilespmem:s1+$0xFFFFFFD0]  }
0xa3: {  	v37 =	vld [tilespmem:s1+$0xFFFFFFE0]  }
0xa4: {  	v38 =	vld [tilespmem:s1+$0xFFFFFFF0]  }
0xa5: {  	v39 =	vld [tilespmem:s1+$0x0]  }
0xa6: {  	v40 =	vld [tilespmem:s1+$0x10]  }
0xa7: {  	v41 =	vld [tilespmem:s1+$0x20]  }
0xa8: {  	v42 =	vld [tilespmem:s1+$0x30]  }
0xa9: {  	v43 =	vld [tilespmem:s1+$0x40]  }
0xaa: {  	v44 =	vld [tilespmem:s1+$0x50]  }
0xab: {  	v45 =	vld [tilespmem:s1+$0x60]  }
0xac: {  	v9 =	vld.idx.msk [tilespmem:v7+s2+$0x0], $0xffff  }
0xad: {  	v19 =	vld.idx.msk [tilespmem:v1+s2+$0x0], $0xffff  }
0xae: {  	v20 =	vld.idx.msk [tilespmem:v2+s2+$0x0], $0xffff  }
0xaf: {  	v21 =	vld.idx.msk [tilespmem:v3+s2+$0x0], $0xffff  }
0xb0: {  	v22 =	vld.idx.msk [tilespmem:v4+s2+$0x0], $0xffff  }
0xb1: {  	v23 =	vld.idx.msk [tilespmem:v5+s2+$0x0], $0xffff  }
0xb2: {  	v24 =	vld.idx.msk [tilespmem:v18+s2+$0x0], $0xffff  }
0xb3: {  	v58 =	vld.idx.msk [tilespmem:v6+s2+$0x0], $0xffff  }
0xb4: {  	v25 =	vld.idx.msk [tilespmem:v10+s2+$0x0], $0xffff  }
0xb5: {  	v26 =	vld.idx.msk [tilespmem:v11+s2+$0x0], $0xffff  }
0xb6: {  	v27 =	vld.idx.msk [tilespmem:v12+s2+$0x0], $0xffff  }
0xb7: {  	v28 =	vld.idx.msk [tilespmem:v13+s2+$0x0], $0xffff  }
0xb8: {  	v59 =	vld.idx.msk [tilespmem:v14+s2+$0x0], $0xffff  }
0xb9: {  	v60 =	vld.idx.msk [tilespmem:v15+s2+$0x0], $0xffff  }
0xba: {  	v29 =	vld.idx.msk [tilespmem:v16+s2+$0x0], $0xffff  }
0xbb: {  	v30 =	vld.idx.msk [tilespmem:v17+s2+$0x0], $0xffff  }
0xbc: {  	[tilespmem:v8+s25+$0x0] =	vst.idx.add.f32.msk $0xffff, v9  }
0xbd: {  	[tilespmem:v31+s25+$0x0] =	vst.idx.add.f32.msk $0xffff, v24  }
0xbe: {  	[tilespmem:v32+s25+$0x0] =	vst.idx.add.f32.msk $0xffff, v19  }
0xbf: {  	[tilespmem:v33+s25+$0x0] =	vst.idx.add.f32.msk $0xffff, v20  }
0xc0: {  	[tilespmem:v34+s25+$0x0] =	vst.idx.add.f32.msk $0xffff, v21  }
0xc1: {  	[tilespmem:v35+s25+$0x0] =	vst.idx.add.f32.msk $0xffff, v22  }
0xc2: {  	[tilespmem:v36+s25+$0x0] =	vst.idx.add.f32.msk $0xffff, v23  }
0xc3: {  	[tilespmem:v37+s25+$0x0] =	vst.idx.add.f32.msk $0xffff, v58  }
0xc4: {  	[tilespmem:v38+s25+$0x0] =	vst.idx.add.f32.msk $0xffff, v25  }
0xc5: {  	[tilespmem:v39+s25+$0x0] =	vst.idx.add.f32.msk $0xffff, v26  }
0xc6: {  	[tilespmem:v40+s25+$0x0] =	vst.idx.add.f32.msk $0xffff, v27  }
0xc7: {  	[tilespmem:v41+s25+$0x0] =	vst.idx.add.f32.msk $0xffff, v28  }
0xc8: {  	[tilespmem:v42+s25+$0x0] =	vst.idx.add.f32.msk $0xffff, v59  }
0xc9: {  	[tilespmem:v43+s25+$0x0] =	vst.idx.add.f32.msk $0xffff, v60  }
0xca: {  	[tilespmem:v44+s25+$0x0] =	vst.idx.add.f32.msk $0xffff, v29  }
0xcb: {  	[tilespmem:v45+s25+$0x0] =	vst.idx.add.f32.msk $0xffff, v30  }
0xcc: {  	v9 =	vld.idx.msk [tilespmem:v7+s20+$0x0], $0xffff  }
0xcd: {  	v61 =	vld.idx.msk [tilespmem:v18+s20+$0x0], $0xffff  }
0xce: {  	v62 =	vld.idx.msk [tilespmem:v1+s20+$0x0], $0xffff  }
0xcf: {  	v63 =	vld.idx.msk [tilespmem:v2+s20+$0x0], $0xffff  }
0xd0: {  	v46 =	vld.idx.msk [tilespmem:v3+s20+$0x0], $0xffff  }
0xd1: {  	v47 =	vld.idx.msk [tilespmem:v4+s20+$0x0], $0xffff  }
0xd2: {  	v48 =	vld.idx.msk [tilespmem:v5+s20+$0x0], $0xffff  }
0xd3: {  	v49 =	vld.idx.msk [tilespmem:v6+s20+$0x0], $0xffff  }
0xd4: {  	v50 =	vld.idx.msk [tilespmem:v10+s20+$0x0], $0xffff  }
0xd5: {  	v51 =	vld.idx.msk [tilespmem:v11+s20+$0x0], $0xffff  }
0xd6: {  	v52 =	vld.idx.msk [tilespmem:v12+s20+$0x0], $0xffff  }
0xd7: {  	v53 =	vld.idx.msk [tilespmem:v13+s20+$0x0], $0xffff  }
0xd8: {  	v54 =	vld.idx.msk [tilespmem:v14+s20+$0x0], $0xffff  }
0xd9: {  	v55 =	vld.idx.msk [tilespmem:v15+s20+$0x0], $0xffff  }
0xda: {  	v29 =	vld.idx.msk [tilespmem:v16+s20+$0x0], $0xffff  }
0xdb: {  	v30 =	vld.idx.msk [tilespmem:v17+s20+$0x0], $0xffff  }
0xdc: {  	[tilespmem:v8+s26+$0x0] =	vst.idx.add.f32.msk $0xffff, v9  }
0xdd: {  	[tilespmem:v31+s26+$0x0] =	vst.idx.add.f32.msk $0xffff, v61  }
0xde: {  	[tilespmem:v32+s26+$0x0] =	vst.idx.add.f32.msk $0xffff, v62  }
0xdf: {  	[tilespmem:v33+s26+$0x0] =	vst.idx.add.f32.msk $0xffff, v63  }
0xe0: {  	[tilespmem:v34+s26+$0x0] =	vst.idx.add.f32.msk $0xffff, v46  }
0xe1: {  	[tilespmem:v35+s26+$0x0] =	vst.idx.add.f32.msk $0xffff, v47  }
0xe2: {  	[tilespmem:v36+s26+$0x0] =	vst.idx.add.f32.msk $0xffff, v48  }
0xe3: {  	[tilespmem:v37+s26+$0x0] =	vst.idx.add.f32.msk $0xffff, v49  }
0xe4: {  	[tilespmem:v38+s26+$0x0] =	vst.idx.add.f32.msk $0xffff, v50  }
0xe5: {  	[tilespmem:v39+s26+$0x0] =	vst.idx.add.f32.msk $0xffff, v51  }
0xe6: {  	[tilespmem:v40+s26+$0x0] =	vst.idx.add.f32.msk $0xffff, v52  }
0xe7: {  	[tilespmem:v41+s26+$0x0] =	vst.idx.add.f32.msk $0xffff, v53  }
0xe8: {  	[tilespmem:v42+s26+$0x0] =	vst.idx.add.f32.msk $0xffff, v54  }
0xe9: {  	[tilespmem:v43+s26+$0x0] =	vst.idx.add.f32.msk $0xffff, v55  }
0xea: {  	[tilespmem:v44+s26+$0x0] =	vst.idx.add.f32.msk $0xffff, v29  }
0xeb: {  	[tilespmem:v45+s26+$0x0] =	vst.idx.add.f32.msk $0xffff, v30  }
0xec: {  	v9 =	vld.idx.msk [tilespmem:v7+s21+$0x0], $0xffff  }
0xed: {  	v19 =	vld.idx.msk [tilespmem:v3+s21+$0x0], $0xffff  }
0xee: {  	v20 =	vld.idx.msk [tilespmem:v4+s21+$0x0], $0xffff  }
0xef: {  	v21 =	vld.idx.msk [tilespmem:v5+s21+$0x0], $0xffff  }
0xf0: {  	v22 =	vld.idx.msk [tilespmem:v6+s21+$0x0], $0xffff  }
0xf1: {  	v23 =	vld.idx.msk [tilespmem:v10+s21+$0x0], $0xffff  }
0xf2: {  	v24 =	vld.idx.msk [tilespmem:v11+s21+$0x0], $0xffff  }
0xf3: {  	v25 =	vld.idx.msk [tilespmem:v12+s21+$0x0], $0xffff  }
0xf4: {  	v26 =	vld.idx.msk [tilespmem:v13+s21+$0x0], $0xffff  }
0xf5: {  	v27 =	vld.idx.msk [tilespmem:v14+s21+$0x0], $0xffff  }
0xf6: {  	v28 =	vld.idx.msk [tilespmem:v15+s21+$0x0], $0xffff  }
0xf7: {  	v29 =	vld.idx.msk [tilespmem:v16+s21+$0x0], $0xffff  }
0xf8: {  	v30 =	vld.idx.msk [tilespmem:v17+s21+$0x0], $0xffff  }
0xf9: {  	[tilespmem:v8+s28+$0x0] =	vst.idx.add.f32.msk $0xffff, v9  }
0xfa: {  	v9 =	vld.idx.msk [tilespmem:v2+s21+$0x0], $0xffff  }
0xfb: {  	[tilespmem:v34+s28+$0x0] =	vst.idx.add.f32.msk $0xffff, v19  }
0xfc: {  	[tilespmem:v35+s28+$0x0] =	vst.idx.add.f32.msk $0xffff, v20  }
0xfd: {  	[tilespmem:v36+s28+$0x0] =	vst.idx.add.f32.msk $0xffff, v21  }
0xfe: {  	[tilespmem:v37+s28+$0x0] =	vst.idx.add.f32.msk $0xffff, v22  }
0xff: {  	[tilespmem:v38+s28+$0x0] =	vst.idx.add.f32.msk $0xffff, v23  }
0x100: {  	[tilespmem:v39+s28+$0x0] =	vst.idx.add.f32.msk $0xffff, v24  }
0x101: {  	[tilespmem:v40+s28+$0x0] =	vst.idx.add.f32.msk $0xffff, v25  }
0x102: {  	[tilespmem:v41+s28+$0x0] =	vst.idx.add.f32.msk $0xffff, v26  }
0x103: {  	[tilespmem:v42+s28+$0x0] =	vst.idx.add.f32.msk $0xffff, v27  }
0x104: {  	[tilespmem:v43+s28+$0x0] =	vst.idx.add.f32.msk $0xffff, v28  }
0x105: {  	[tilespmem:v44+s28+$0x0] =	vst.idx.add.f32.msk $0xffff, v29  }
0x106: {  	[tilespmem:v45+s28+$0x0] =	vst.idx.add.f32.msk $0xffff, v30  }
0x107: {  	v7 =	vld.idx.msk [tilespmem:v7+s22+$0x0], $0xffff  }
0x108: {  	v3 =	vld.idx.msk [tilespmem:v3+s22+$0x0], $0xffff  }
0x109: {  	v4 =	vld.idx.msk [tilespmem:v4+s22+$0x0], $0xffff  }
0x10a: {  	v5 =	vld.idx.msk [tilespmem:v5+s22+$0x0], $0xffff  }
0x10b: {  	v6 =	vld.idx.msk [tilespmem:v6+s22+$0x0], $0xffff  }
0x10c: {  	v56 =	vld.idx.msk [tilespmem:v10+s22+$0x0], $0xffff  }
0x10d: {  	v57 =	vld.idx.msk [tilespmem:v11+s22+$0x0], $0xffff  }
0x10e: {  	v58 =	vld.idx.msk [tilespmem:v12+s22+$0x0], $0xffff  }
0x10f: {  	v59 =	vld.idx.msk [tilespmem:v13+s22+$0x0], $0xffff  }
0x110: {  	v60 =	vld.idx.msk [tilespmem:v14+s22+$0x0], $0xffff  }
0x111: {  	v61 =	vld.idx.msk [tilespmem:v15+s22+$0x0], $0xffff  }
0x112: {  	v62 =	vld.idx.msk [tilespmem:v16+s22+$0x0], $0xffff  }
0x113: {  	v63 =	vld.idx.msk [tilespmem:v17+s22+$0x0], $0xffff  }
0x114: {  	[tilespmem:v33+s28+$0x0] =	vst.idx.add.f32.msk $0xffff, v9  }
0x115: {  	[tilespmem:v8+s29+$0x0] =	vst.idx.add.f32.msk $0xffff, v7  }
0x116: {  	v7 =	vld.idx.msk [tilespmem:v18+s21+$0x0], $0xffff  }
0x117: {  	v8 =	vld.idx.msk [tilespmem:v1+s21+$0x0], $0xffff  }
0x118: {  	v2 =	vld.idx.msk [tilespmem:v2+s22+$0x0], $0xffff  }
0x119: {  	[tilespmem:v34+s29+$0x0] =	vst.idx.add.f32.msk $0xffff, v3  }
0x11a: {  	[tilespmem:v35+s29+$0x0] =	vst.idx.add.f32.msk $0xffff, v4  }
0x11b: {  	[tilespmem:v36+s29+$0x0] =	vst.idx.add.f32.msk $0xffff, v5  }
0x11c: {  	[tilespmem:v37+s29+$0x0] =	vst.idx.add.f32.msk $0xffff, v6  }
0x11d: {  	[tilespmem:v38+s29+$0x0] =	vst.idx.add.f32.msk $0xffff, v56  }
0x11e: {  	[tilespmem:v39+s29+$0x0] =	vst.idx.add.f32.msk $0xffff, v57  }
0x11f: {  	[tilespmem:v40+s29+$0x0] =	vst.idx.add.f32.msk $0xffff, v58  }
0x120: {  	[tilespmem:v41+s29+$0x0] =	vst.idx.add.f32.msk $0xffff, v59  }
0x121: {  	[tilespmem:v42+s29+$0x0] =	vst.idx.add.f32.msk $0xffff, v60  }
0x122: {  	[tilespmem:v43+s29+$0x0] =	vst.idx.add.f32.msk $0xffff, v61  }
0x123: {  	[tilespmem:v31+s28+$0x0] =	vst.idx.add.f32.msk $0xffff, v7  }
0x124: {  	[tilespmem:v32+s28+$0x0] =	vst.idx.add.f32.msk $0xffff, v8  }
0x125: {  	v7 =	vld.idx.msk [tilespmem:v18+s22+$0x0], $0xffff  }
0x126: {  	v1 =	vld.idx.msk [tilespmem:v1+s22+$0x0], $0xffff  }
0x127: {  	[tilespmem:v44+s29+$0x0] =	vst.idx.add.f32.msk $0xffff, v62  }
0x128: {  	[tilespmem:v45+s29+$0x0] =	vst.idx.add.f32.msk $0xffff, v63  }
0x129: {  	[tilespmem:v33+s29+$0x0] =	vst.idx.add.f32.msk $0xffff, v2  }
0x12a: {  	[tilespmem:v31+s29+$0x0] =	vst.idx.add.f32.msk $0xffff, v7  }
0x12b: {  	s16 =	simm.s32 $0x0;
	s17 =	simm.s32 $0x13D80;
	[tilespmem:v32+s29+$0x0] =	vst.idx.add.f32.msk $0xffff, v1  }
.LBB2_5:
0x12c: {  	v16 =	vld [tilespmem:s17+$0x70];
	s16 =	sadd.s32 $0x10, s16  }
0x12d: {  	v1 =	vld [tilespmem:s17+$0xFFFFFF90];
	p0 =	slt.u32 s16, $0x260  }
0x12e: {  	v2 =	vld [tilespmem:s17+$0xFFFFFFA0]  }
0x12f: {  	v3 =	vld [tilespmem:s17+$0xFFFFFFB0]  }
0x130: {  	v4 =	vld [tilespmem:s17+$0xFFFFFFC0]  }
0x131: {  	s1 =	sadd.s32 $0x100, s1;
	v5 =	vld [tilespmem:s17+$0xFFFFFFD0]  }
0x132: {  	v17 =	vld [tilespmem:s1+$0x70]  }
0x133: {  	v6 =	vld [tilespmem:s17+$0xFFFFFFE0]  }
0x134: {  	v12 =	vld.idx.msk [tilespmem:v16+s2+$0x0], $0xffff  }
0x135: {  	v7 =	vld [tilespmem:s17+$0xFFFFFFF0]  }
0x136: {  	v8 =	vld [tilespmem:s17+$0x0]  }
0x137: {  	v9 =	vld [tilespmem:s17+$0x10]  }
0x138: {  	v10 =	vld [tilespmem:s17+$0x20]  }
0x139: {  	v11 =	vld [tilespmem:s17+$0x30]  }
0x13a: {  	[tilespmem:v17+s25+$0x0] =	vst.idx.add.f32.msk $0xffff, v12  }
0x13b: {  	v18 =	vld.idx.msk [tilespmem:v16+s20+$0x0], $0xffff  }
0x13c: {  	v12 =	vld [tilespmem:s17+$0x40]  }
0x13d: {  	v13 =	vld [tilespmem:s17+$0x50]  }
0x13e: {  	v14 =	vld [tilespmem:s17+$0x60]  }
0x13f: {  	v15 =	vld [tilespmem:s17+$0xFFFFFF80]  }
0x140: {  	v31 =	vld.idx.msk [tilespmem:v1+s2+$0x0], $0xffff  }
0x141: {  	[tilespmem:v17+s26+$0x0] =	vst.idx.add.f32.msk $0xffff, v18  }
0x142: {  	v18 =	vld.idx.msk [tilespmem:v16+s21+$0x0], $0xffff  }
0x143: {  	v32 =	vld.idx.msk [tilespmem:v2+s2+$0x0], $0xffff  }
0x144: {  	v33 =	vld.idx.msk [tilespmem:v3+s2+$0x0], $0xffff  }
0x145: {  	v34 =	vld.idx.msk [tilespmem:v4+s2+$0x0], $0xffff  }
0x146: {  	v35 =	vld.idx.msk [tilespmem:v5+s2+$0x0], $0xffff  }
0x147: {  	v36 =	vld.idx.msk [tilespmem:v15+s2+$0x0], $0xffff  }
0x148: {  	[tilespmem:v17+s28+$0x0] =	vst.idx.add.f32.msk $0xffff, v18  }
0x149: {  	v16 =	vld.idx.msk [tilespmem:v16+s22+$0x0], $0xffff  }
0x14a: {  	v37 =	vld.idx.msk [tilespmem:v6+s2+$0x0], $0xffff  }
0x14b: {  	v38 =	vld.idx.msk [tilespmem:v7+s2+$0x0], $0xffff  }
0x14c: {  	v39 =	vld.idx.msk [tilespmem:v8+s2+$0x0], $0xffff  }
0x14d: {  	v40 =	vld.idx.msk [tilespmem:v9+s2+$0x0], $0xffff  }
0x14e: {  	v41 =	vld.idx.msk [tilespmem:v10+s2+$0x0], $0xffff  }
0x14f: {  	[tilespmem:v17+s29+$0x0] =	vst.idx.add.f32.msk $0xffff, v16  }
0x150: {  	v42 =	vld.idx.msk [tilespmem:v11+s2+$0x0], $0xffff  }
0x151: {  	v43 =	vld.idx.msk [tilespmem:v12+s2+$0x0], $0xffff  }
0x152: {  	v44 =	vld.idx.msk [tilespmem:v13+s2+$0x0], $0xffff  }
0x153: {  	v45 =	vld.idx.msk [tilespmem:v14+s2+$0x0], $0xffff  }
0x154: {  	v16 =	vld [tilespmem:s1+$0xFFFFFF80]  }
0x155: {  	v17 =	vld [tilespmem:s1+$0xFFFFFF90]  }
0x156: {  	v18 =	vld [tilespmem:s1+$0xFFFFFFA0]  }
0x157: {  	v19 =	vld [tilespmem:s1+$0xFFFFFFB0]  }
0x158: {  	v20 =	vld [tilespmem:s1+$0xFFFFFFC0]  }
0x159: {  	v21 =	vld [tilespmem:s1+$0xFFFFFFD0]  }
0x15a: {  	v22 =	vld [tilespmem:s1+$0xFFFFFFE0]  }
0x15b: {  	v23 =	vld [tilespmem:s1+$0xFFFFFFF0]  }
0x15c: {  	v24 =	vld [tilespmem:s1+$0x0]  }
0x15d: {  	v25 =	vld [tilespmem:s1+$0x10]  }
0x15e: {  	v26 =	vld [tilespmem:s1+$0x20]  }
0x15f: {  	v27 =	vld [tilespmem:s1+$0x30]  }
0x160: {  	v28 =	vld [tilespmem:s1+$0x40]  }
0x161: {  	v29 =	vld [tilespmem:s1+$0x50]  }
0x162: {  	v30 =	vld [tilespmem:s1+$0x60]  }
0x163: {  	[tilespmem:v16+s25+$0x0] =	vst.idx.add.f32.msk $0xffff, v36  }
0x164: {  	[tilespmem:v17+s25+$0x0] =	vst.idx.add.f32.msk $0xffff, v31  }
0x165: {  	[tilespmem:v18+s25+$0x0] =	vst.idx.add.f32.msk $0xffff, v32  }
0x166: {  	[tilespmem:v19+s25+$0x0] =	vst.idx.add.f32.msk $0xffff, v33  }
0x167: {  	[tilespmem:v20+s25+$0x0] =	vst.idx.add.f32.msk $0xffff, v34  }
0x168: {  	[tilespmem:v21+s25+$0x0] =	vst.idx.add.f32.msk $0xffff, v35  }
0x169: {  	[tilespmem:v22+s25+$0x0] =	vst.idx.add.f32.msk $0xffff, v37  }
0x16a: {  	[tilespmem:v23+s25+$0x0] =	vst.idx.add.f32.msk $0xffff, v38  }
0x16b: {  	[tilespmem:v24+s25+$0x0] =	vst.idx.add.f32.msk $0xffff, v39  }
0x16c: {  	[tilespmem:v25+s25+$0x0] =	vst.idx.add.f32.msk $0xffff, v40  }
0x16d: {  	[tilespmem:v26+s25+$0x0] =	vst.idx.add.f32.msk $0xffff, v41  }
0x16e: {  	[tilespmem:v27+s25+$0x0] =	vst.idx.add.f32.msk $0xffff, v42  }
0x16f: {  	[tilespmem:v28+s25+$0x0] =	vst.idx.add.f32.msk $0xffff, v43  }
0x170: {  	[tilespmem:v29+s25+$0x0] =	vst.idx.add.f32.msk $0xffff, v44  }
0x171: {  	[tilespmem:v30+s25+$0x0] =	vst.idx.add.f32.msk $0xffff, v45  }
0x172: {  	v31 =	vld.idx.msk [tilespmem:v15+s20+$0x0], $0xffff  }
0x173: {  	v32 =	vld.idx.msk [tilespmem:v1+s20+$0x0], $0xffff  }
0x174: {  	v33 =	vld.idx.msk [tilespmem:v2+s20+$0x0], $0xffff  }
0x175: {  	v34 =	vld.idx.msk [tilespmem:v3+s20+$0x0], $0xffff  }
0x176: {  	v35 =	vld.idx.msk [tilespmem:v4+s20+$0x0], $0xffff  }
0x177: {  	v36 =	vld.idx.msk [tilespmem:v5+s20+$0x0], $0xffff  }
0x178: {  	v37 =	vld.idx.msk [tilespmem:v6+s20+$0x0], $0xffff  }
0x179: {  	v38 =	vld.idx.msk [tilespmem:v7+s20+$0x0], $0xffff  }
0x17a: {  	v39 =	vld.idx.msk [tilespmem:v8+s20+$0x0], $0xffff  }
0x17b: {  	v40 =	vld.idx.msk [tilespmem:v9+s20+$0x0], $0xffff  }
0x17c: {  	v41 =	vld.idx.msk [tilespmem:v10+s20+$0x0], $0xffff  }
0x17d: {  	v42 =	vld.idx.msk [tilespmem:v11+s20+$0x0], $0xffff  }
0x17e: {  	v43 =	vld.idx.msk [tilespmem:v12+s20+$0x0], $0xffff  }
0x17f: {  	v44 =	vld.idx.msk [tilespmem:v13+s20+$0x0], $0xffff  }
0x180: {  	v45 =	vld.idx.msk [tilespmem:v14+s20+$0x0], $0xffff  }
0x181: {  	[tilespmem:v16+s26+$0x0] =	vst.idx.add.f32.msk $0xffff, v31  }
0x182: {  	[tilespmem:v17+s26+$0x0] =	vst.idx.add.f32.msk $0xffff, v32  }
0x183: {  	[tilespmem:v18+s26+$0x0] =	vst.idx.add.f32.msk $0xffff, v33  }
0x184: {  	[tilespmem:v19+s26+$0x0] =	vst.idx.add.f32.msk $0xffff, v34  }
0x185: {  	[tilespmem:v20+s26+$0x0] =	vst.idx.add.f32.msk $0xffff, v35  }
0x186: {  	[tilespmem:v21+s26+$0x0] =	vst.idx.add.f32.msk $0xffff, v36  }
0x187: {  	[tilespmem:v22+s26+$0x0] =	vst.idx.add.f32.msk $0xffff, v37  }
0x188: {  	[tilespmem:v23+s26+$0x0] =	vst.idx.add.f32.msk $0xffff, v38  }
0x189: {  	[tilespmem:v24+s26+$0x0] =	vst.idx.add.f32.msk $0xffff, v39  }
0x18a: {  	[tilespmem:v25+s26+$0x0] =	vst.idx.add.f32.msk $0xffff, v40  }
0x18b: {  	[tilespmem:v26+s26+$0x0] =	vst.idx.add.f32.msk $0xffff, v41  }
0x18c: {  	[tilespmem:v27+s26+$0x0] =	vst.idx.add.f32.msk $0xffff, v42  }
0x18d: {  	[tilespmem:v28+s26+$0x0] =	vst.idx.add.f32.msk $0xffff, v43  }
0x18e: {  	[tilespmem:v29+s26+$0x0] =	vst.idx.add.f32.msk $0xffff, v44  }
0x18f: {  	[tilespmem:v30+s26+$0x0] =	vst.idx.add.f32.msk $0xffff, v45  }
0x190: {  	v31 =	vld.idx.msk [tilespmem:v15+s21+$0x0], $0xffff  }
0x191: {  	v32 =	vld.idx.msk [tilespmem:v1+s21+$0x0], $0xffff  }
0x192: {  	v33 =	vld.idx.msk [tilespmem:v2+s21+$0x0], $0xffff  }
0x193: {  	v34 =	vld.idx.msk [tilespmem:v3+s21+$0x0], $0xffff  }
0x194: {  	v35 =	vld.idx.msk [tilespmem:v4+s21+$0x0], $0xffff  }
0x195: {  	v36 =	vld.idx.msk [tilespmem:v5+s21+$0x0], $0xffff  }
0x196: {  	v37 =	vld.idx.msk [tilespmem:v6+s21+$0x0], $0xffff  }
0x197: {  	v38 =	vld.idx.msk [tilespmem:v7+s21+$0x0], $0xffff  }
0x198: {  	v39 =	vld.idx.msk [tilespmem:v8+s21+$0x0], $0xffff  }
0x199: {  	v40 =	vld.idx.msk [tilespmem:v9+s21+$0x0], $0xffff  }
0x19a: {  	v41 =	vld.idx.msk [tilespmem:v10+s21+$0x0], $0xffff  }
0x19b: {  	v42 =	vld.idx.msk [tilespmem:v11+s21+$0x0], $0xffff  }
0x19c: {  	v43 =	vld.idx.msk [tilespmem:v12+s21+$0x0], $0xffff  }
0x19d: {  	v44 =	vld.idx.msk [tilespmem:v13+s21+$0x0], $0xffff  }
0x19e: {  	v45 =	vld.idx.msk [tilespmem:v14+s21+$0x0], $0xffff  }
0x19f: {  	[tilespmem:v16+s28+$0x0] =	vst.idx.add.f32.msk $0xffff, v31  }
0x1a0: {  	[tilespmem:v17+s28+$0x0] =	vst.idx.add.f32.msk $0xffff, v32  }
0x1a1: {  	[tilespmem:v18+s28+$0x0] =	vst.idx.add.f32.msk $0xffff, v33  }
0x1a2: {  	[tilespmem:v19+s28+$0x0] =	vst.idx.add.f32.msk $0xffff, v34  }
0x1a3: {  	[tilespmem:v20+s28+$0x0] =	vst.idx.add.f32.msk $0xffff, v35  }
0x1a4: {  	[tilespmem:v21+s28+$0x0] =	vst.idx.add.f32.msk $0xffff, v36  }
0x1a5: {  	[tilespmem:v22+s28+$0x0] =	vst.idx.add.f32.msk $0xffff, v37  }
0x1a6: {  	[tilespmem:v23+s28+$0x0] =	vst.idx.add.f32.msk $0xffff, v38  }
0x1a7: {  	[tilespmem:v24+s28+$0x0] =	vst.idx.add.f32.msk $0xffff, v39  }
0x1a8: {  	[tilespmem:v25+s28+$0x0] =	vst.idx.add.f32.msk $0xffff, v40  }
0x1a9: {  	[tilespmem:v26+s28+$0x0] =	vst.idx.add.f32.msk $0xffff, v41  }
0x1aa: {  	[tilespmem:v27+s28+$0x0] =	vst.idx.add.f32.msk $0xffff, v42  }
0x1ab: {  	[tilespmem:v28+s28+$0x0] =	vst.idx.add.f32.msk $0xffff, v43  }
0x1ac: {  	[tilespmem:v29+s28+$0x0] =	vst.idx.add.f32.msk $0xffff, v44  }
0x1ad: {  	[tilespmem:v30+s28+$0x0] =	vst.idx.add.f32.msk $0xffff, v45  }
0x1ae: {  	v15 =	vld.idx.msk [tilespmem:v15+s22+$0x0], $0xffff  }
0x1af: {  	v1 =	vld.idx.msk [tilespmem:v1+s22+$0x0], $0xffff  }
0x1b0: {  	v2 =	vld.idx.msk [tilespmem:v2+s22+$0x0], $0xffff  }
0x1b1: {  	v3 =	vld.idx.msk [tilespmem:v3+s22+$0x0], $0xffff  }
0x1b2: {  	v4 =	vld.idx.msk [tilespmem:v4+s22+$0x0], $0xffff  }
0x1b3: {  	v5 =	vld.idx.msk [tilespmem:v5+s22+$0x0], $0xffff  }
0x1b4: {  	v6 =	vld.idx.msk [tilespmem:v6+s22+$0x0], $0xffff  }
0x1b5: {  	v7 =	vld.idx.msk [tilespmem:v7+s22+$0x0], $0xffff  }
0x1b6: {  	v8 =	vld.idx.msk [tilespmem:v8+s22+$0x0], $0xffff  }
0x1b7: {  	v9 =	vld.idx.msk [tilespmem:v9+s22+$0x0], $0xffff  }
0x1b8: {  	v10 =	vld.idx.msk [tilespmem:v10+s22+$0x0], $0xffff  }
0x1b9: {  	v11 =	vld.idx.msk [tilespmem:v11+s22+$0x0], $0xffff  }
0x1ba: {  	v12 =	vld.idx.msk [tilespmem:v12+s22+$0x0], $0xffff  }
0x1bb: {  	v13 =	vld.idx.msk [tilespmem:v13+s22+$0x0], $0xffff  }
0x1bc: {  	v14 =	vld.idx.msk [tilespmem:v14+s22+$0x0], $0xffff  }
0x1bd: {  	[tilespmem:v16+s29+$0x0] =	vst.idx.add.f32.msk $0xffff, v15  }
0x1be: {  	[tilespmem:v17+s29+$0x0] =	vst.idx.add.f32.msk $0xffff, v1  }
0x1bf: {  	[tilespmem:v18+s29+$0x0] =	vst.idx.add.f32.msk $0xffff, v2  }
0x1c0: {  	[tilespmem:v19+s29+$0x0] =	vst.idx.add.f32.msk $0xffff, v3  }
0x1c1: {  	[tilespmem:v20+s29+$0x0] =	vst.idx.add.f32.msk $0xffff, v4  }
0x1c2: {  	[tilespmem:v21+s29+$0x0] =	vst.idx.add.f32.msk $0xffff, v5  }
0x1c3: {  	[tilespmem:v22+s29+$0x0] =	vst.idx.add.f32.msk $0xffff, v6  }
0x1c4: {  	[tilespmem:v23+s29+$0x0] =	vst.idx.add.f32.msk $0xffff, v7  }
0x1c5: {  	[tilespmem:v24+s29+$0x0] =	vst.idx.add.f32.msk $0xffff, v8  }
0x1c6: {  	[tilespmem:v25+s29+$0x0] =	vst.idx.add.f32.msk $0xffff, v9  }
.Ltmp3:
0x1c7: {  	[tilespmem:v26+s29+$0x0] =	vst.idx.add.f32.msk $0xffff, v10;
	(pc) =	sbr.rel @p0 .LBB2_5-.Ltmp3, $4  }
0x1c8: {  	[tilespmem:v27+s29+$0x0] =	vst.idx.add.f32.msk $0xffff, v11  }
0x1c9: {  	[tilespmem:v28+s29+$0x0] =	vst.idx.add.f32.msk $0xffff, v12  }
0x1ca: {  	[tilespmem:v29+s29+$0x0] =	vst.idx.add.f32.msk $0xffff, v13  }
0x1cb: {  	s17 =	sadd.s32 $0x100, s17;
	[tilespmem:v30+s29+$0x0] =	vst.idx.add.f32.msk $0xffff, v14  }
0x1cc: {  	v1 =	vld [tilespmem:$0x16300];
	_ =	sdelay $0x4  }
0x1cd: {  	v2 =	vld [tilespmem:$0x1B200];
	_ =	sdelay $0x2  }
0x1ce: {  	v3 =	vld.idx.msk [tilespmem:v1+s2+$0x0], $0xffff;
	_ =	sdelay $0x4  }
0x1cf: {  	[tilespmem:v2+s25+$0x0] =	vst.idx.add.f32.msk $0xffff, v3  }
0x1d0: {  	v3 =	vld.idx.msk [tilespmem:v1+s20+$0x0], $0xffff;
	_ =	sdelay $0x4  }
0x1d1: {  	[tilespmem:v2+s26+$0x0] =	vst.idx.add.f32.msk $0xffff, v3  }
0x1d2: {  	v3 =	vld.idx.msk [tilespmem:v1+s21+$0x0], $0xffff;
	_ =	sdelay $0x4  }
0x1d3: {  	[tilespmem:v2+s28+$0x0] =	vst.idx.add.f32.msk $0xffff, v3  }
0x1d4: {  	p0 =	seq.s32 s0, $0xF;
	v1 =	vld.idx.msk [tilespmem:v1+s22+$0x0], $0xffff  }
0x1d5: {  	s1 =	smul.u32 @!p0 $0x4E20, s0;
	_ =	sdelay $0x1  }
0x1d6: {  	s1 =	sshrl.u32 @!p0 s1, $0x3  }
0x1d7: {  	s1 =	sadd.s32 @!p0 s3, s1  }
0x1d8: {  	s5 =	simm.s32 @!p0 $0x0;
	s6 =	simm.s32 @!p0 $0x13C00;
	s4 =	sadd.s32 @!p0 $0x9C4, s1;
	[tilespmem:v2+s29+$0x0] =	vst.idx.add.f32.msk $0xffff, v1  }
0x1d9: {  	[tilespmem:s6], [sflag:$0x1] =	stream.linear.gather @!p0 [hbm4b:s4+s5], $0x2710, $0x38;
	[tilespmem:$0x1DA00] =	vst v63  }
0x1da: {  	s1 =	sadd.s32 @!p0 $0xA604, s1;
	s4 =	simm.s32 @!p0 $0x18B00  }
0x1db: {  	[tilespmem:s4], [sflag:$0x1] =	stream.linear.gather @!p0 [hbm4b:s1+s5], $0x2710, $0x38;
	[tilespmem:$0x1DA00] =	vst v63  }
0x1dc: {  	_ =	swait.ge [sflag:s30], $0x2710  }
0x1dd: {  	[sflag:s30] =	ssyncset.done $0x0  }
0x1de: {  	[sflag:s30] =	ssyncadd.s32 $0xFFFFD8F0  }
0x1df: {  	_ =	swait.ge [sflag:s30], $0x2710  }
0x1e0: {  	[sflag:s30] =	ssyncset.done $0x0  }
0x1e1: {  	s17 =	simm.s32 $0x16400;
	[sflag:s30] =	ssyncadd.s32 $0xFFFFD8F0  }
0x1e2: {  	v7 =	vld [tilespmem:s17+$0x70]  }
0x1e3: {  	v1 =	vld [tilespmem:s17+$0xFFFFFF90]  }
0x1e4: {  	v2 =	vld [tilespmem:s17+$0xFFFFFFA0]  }
0x1e5: {  	v3 =	vld [tilespmem:s17+$0xFFFFFFB0]  }
0x1e6: {  	v4 =	vld [tilespmem:s17+$0xFFFFFFC0]  }
0x1e7: {  	s1 =	simm.s32 $0x1B300;
	v5 =	vld [tilespmem:s17+$0xFFFFFFD0]  }
0x1e8: {  	v8 =	vld [tilespmem:s1+$0x70]  }
0x1e9: {  	v6 =	vld [tilespmem:s17+$0xFFFFFFE0]  }
0x1ea: {  	v10 =	vld [tilespmem:s17+$0xFFFFFFF0]  }
0x1eb: {  	v11 =	vld [tilespmem:s17+$0x0]  }
0x1ec: {  	v12 =	vld [tilespmem:s17+$0x10]  }
0x1ed: {  	v13 =	vld [tilespmem:s17+$0x20]  }
0x1ee: {  	v14 =	vld [tilespmem:s17+$0x30]  }
0x1ef: {  	v15 =	vld [tilespmem:s17+$0x40]  }
0x1f0: {  	v16 =	vld [tilespmem:s17+$0x50]  }
0x1f1: {  	v17 =	vld [tilespmem:s17+$0x60]  }
0x1f2: {  	v18 =	vld [tilespmem:s17+$0xFFFFFF80]  }
0x1f3: {  	v31 =	vld [tilespmem:s1+$0xFFFFFF80]  }
0x1f4: {  	v32 =	vld [tilespmem:s1+$0xFFFFFF90]  }
0x1f5: {  	v33 =	vld [tilespmem:s1+$0xFFFFFFA0]  }
0x1f6: {  	v34 =	vld [tilespmem:s1+$0xFFFFFFB0]  }
0x1f7: {  	v35 =	vld [tilespmem:s1+$0xFFFFFFC0]  }
0x1f8: {  	v36 =	vld [tilespmem:s1+$0xFFFFFFD0]  }
0x1f9: {  	v37 =	vld [tilespmem:s1+$0xFFFFFFE0]  }
0x1fa: {  	v38 =	vld [tilespmem:s1+$0xFFFFFFF0]  }
0x1fb: {  	v39 =	vld [tilespmem:s1+$0x0]  }
0x1fc: {  	v40 =	vld [tilespmem:s1+$0x10]  }
0x1fd: {  	v41 =	vld [tilespmem:s1+$0x20]  }
0x1fe: {  	v42 =	vld [tilespmem:s1+$0x30]  }
0x1ff: {  	v43 =	vld [tilespmem:s1+$0x40]  }
0x200: {  	v44 =	vld [tilespmem:s1+$0x50]  }
0x201: {  	v45 =	vld [tilespmem:s1+$0x60]  }
0x202: {  	v9 =	vld.idx.msk [tilespmem:v7+s2+$0x0], $0xffff  }
0x203: {  	v19 =	vld.idx.msk [tilespmem:v1+s2+$0x0], $0xffff  }
0x204: {  	v20 =	vld.idx.msk [tilespmem:v2+s2+$0x0], $0xffff  }
0x205: {  	v21 =	vld.idx.msk [tilespmem:v3+s2+$0x0], $0xffff  }
0x206: {  	v22 =	vld.idx.msk [tilespmem:v4+s2+$0x0], $0xffff  }
0x207: {  	v23 =	vld.idx.msk [tilespmem:v5+s2+$0x0], $0xffff  }
0x208: {  	v24 =	vld.idx.msk [tilespmem:v18+s2+$0x0], $0xffff  }
0x209: {  	v58 =	vld.idx.msk [tilespmem:v6+s2+$0x0], $0xffff  }
0x20a: {  	v25 =	vld.idx.msk [tilespmem:v10+s2+$0x0], $0xffff  }
0x20b: {  	v26 =	vld.idx.msk [tilespmem:v11+s2+$0x0], $0xffff  }
0x20c: {  	v27 =	vld.idx.msk [tilespmem:v12+s2+$0x0], $0xffff  }
0x20d: {  	v28 =	vld.idx.msk [tilespmem:v13+s2+$0x0], $0xffff  }
0x20e: {  	v59 =	vld.idx.msk [tilespmem:v14+s2+$0x0], $0xffff  }
0x20f: {  	v60 =	vld.idx.msk [tilespmem:v15+s2+$0x0], $0xffff  }
0x210: {  	v29 =	vld.idx.msk [tilespmem:v16+s2+$0x0], $0xffff  }
0x211: {  	v30 =	vld.idx.msk [tilespmem:v17+s2+$0x0], $0xffff  }
0x212: {  	[tilespmem:v8+s25+$0x0] =	vst.idx.add.f32.msk $0xffff, v9  }
0x213: {  	[tilespmem:v31+s25+$0x0] =	vst.idx.add.f32.msk $0xffff, v24  }
0x214: {  	[tilespmem:v32+s25+$0x0] =	vst.idx.add.f32.msk $0xffff, v19  }
0x215: {  	[tilespmem:v33+s25+$0x0] =	vst.idx.add.f32.msk $0xffff, v20  }
0x216: {  	[tilespmem:v34+s25+$0x0] =	vst.idx.add.f32.msk $0xffff, v21  }
0x217: {  	[tilespmem:v35+s25+$0x0] =	vst.idx.add.f32.msk $0xffff, v22  }
0x218: {  	[tilespmem:v36+s25+$0x0] =	vst.idx.add.f32.msk $0xffff, v23  }
0x219: {  	[tilespmem:v37+s25+$0x0] =	vst.idx.add.f32.msk $0xffff, v58  }
0x21a: {  	[tilespmem:v38+s25+$0x0] =	vst.idx.add.f32.msk $0xffff, v25  }
0x21b: {  	[tilespmem:v39+s25+$0x0] =	vst.idx.add.f32.msk $0xffff, v26  }
0x21c: {  	[tilespmem:v40+s25+$0x0] =	vst.idx.add.f32.msk $0xffff, v27  }
0x21d: {  	[tilespmem:v41+s25+$0x0] =	vst.idx.add.f32.msk $0xffff, v28  }
0x21e: {  	[tilespmem:v42+s25+$0x0] =	vst.idx.add.f32.msk $0xffff, v59  }
0x21f: {  	[tilespmem:v43+s25+$0x0] =	vst.idx.add.f32.msk $0xffff, v60  }
0x220: {  	[tilespmem:v44+s25+$0x0] =	vst.idx.add.f32.msk $0xffff, v29  }
0x221: {  	[tilespmem:v45+s25+$0x0] =	vst.idx.add.f32.msk $0xffff, v30  }
0x222: {  	v9 =	vld.idx.msk [tilespmem:v7+s20+$0x0], $0xffff  }
0x223: {  	v61 =	vld.idx.msk [tilespmem:v18+s20+$0x0], $0xffff  }
0x224: {  	v62 =	vld.idx.msk [tilespmem:v1+s20+$0x0], $0xffff  }
0x225: {  	v63 =	vld.idx.msk [tilespmem:v2+s20+$0x0], $0xffff  }
0x226: {  	v46 =	vld.idx.msk [tilespmem:v3+s20+$0x0], $0xffff  }
0x227: {  	v47 =	vld.idx.msk [tilespmem:v4+s20+$0x0], $0xffff  }
0x228: {  	v48 =	vld.idx.msk [tilespmem:v5+s20+$0x0], $0xffff  }
0x229: {  	v49 =	vld.idx.msk [tilespmem:v6+s20+$0x0], $0xffff  }
0x22a: {  	v50 =	vld.idx.msk [tilespmem:v10+s20+$0x0], $0xffff  }
0x22b: {  	v51 =	vld.idx.msk [tilespmem:v11+s20+$0x0], $0xffff  }
0x22c: {  	v52 =	vld.idx.msk [tilespmem:v12+s20+$0x0], $0xffff  }
0x22d: {  	v53 =	vld.idx.msk [tilespmem:v13+s20+$0x0], $0xffff  }
0x22e: {  	v54 =	vld.idx.msk [tilespmem:v14+s20+$0x0], $0xffff  }
0x22f: {  	v55 =	vld.idx.msk [tilespmem:v15+s20+$0x0], $0xffff  }
0x230: {  	v29 =	vld.idx.msk [tilespmem:v16+s20+$0x0], $0xffff  }
0x231: {  	v30 =	vld.idx.msk [tilespmem:v17+s20+$0x0], $0xffff  }
0x232: {  	[tilespmem:v8+s26+$0x0] =	vst.idx.add.f32.msk $0xffff, v9  }
0x233: {  	[tilespmem:v31+s26+$0x0] =	vst.idx.add.f32.msk $0xffff, v61  }
0x234: {  	[tilespmem:v32+s26+$0x0] =	vst.idx.add.f32.msk $0xffff, v62  }
0x235: {  	[tilespmem:v33+s26+$0x0] =	vst.idx.add.f32.msk $0xffff, v63  }
0x236: {  	[tilespmem:v34+s26+$0x0] =	vst.idx.add.f32.msk $0xffff, v46  }
0x237: {  	[tilespmem:v35+s26+$0x0] =	vst.idx.add.f32.msk $0xffff, v47  }
0x238: {  	[tilespmem:v36+s26+$0x0] =	vst.idx.add.f32.msk $0xffff, v48  }
0x239: {  	[tilespmem:v37+s26+$0x0] =	vst.idx.add.f32.msk $0xffff, v49  }
0x23a: {  	[tilespmem:v38+s26+$0x0] =	vst.idx.add.f32.msk $0xffff, v50  }
0x23b: {  	[tilespmem:v39+s26+$0x0] =	vst.idx.add.f32.msk $0xffff, v51  }
0x23c: {  	[tilespmem:v40+s26+$0x0] =	vst.idx.add.f32.msk $0xffff, v52  }
0x23d: {  	[tilespmem:v41+s26+$0x0] =	vst.idx.add.f32.msk $0xffff, v53  }
0x23e: {  	[tilespmem:v42+s26+$0x0] =	vst.idx.add.f32.msk $0xffff, v54  }
0x23f: {  	[tilespmem:v43+s26+$0x0] =	vst.idx.add.f32.msk $0xffff, v55  }
0x240: {  	[tilespmem:v44+s26+$0x0] =	vst.idx.add.f32.msk $0xffff, v29  }
0x241: {  	[tilespmem:v45+s26+$0x0] =	vst.idx.add.f32.msk $0xffff, v30  }
0x242: {  	v9 =	vld.idx.msk [tilespmem:v7+s21+$0x0], $0xffff  }
0x243: {  	v19 =	vld.idx.msk [tilespmem:v3+s21+$0x0], $0xffff  }
0x244: {  	v20 =	vld.idx.msk [tilespmem:v4+s21+$0x0], $0xffff  }
0x245: {  	v21 =	vld.idx.msk [tilespmem:v5+s21+$0x0], $0xffff  }
0x246: {  	v22 =	vld.idx.msk [tilespmem:v6+s21+$0x0], $0xffff  }
0x247: {  	v23 =	vld.idx.msk [tilespmem:v10+s21+$0x0], $0xffff  }
0x248: {  	v24 =	vld.idx.msk [tilespmem:v11+s21+$0x0], $0xffff  }
0x249: {  	v25 =	vld.idx.msk [tilespmem:v12+s21+$0x0], $0xffff  }
0x24a: {  	v26 =	vld.idx.msk [tilespmem:v13+s21+$0x0], $0xffff  }
0x24b: {  	v27 =	vld.idx.msk [tilespmem:v14+s21+$0x0], $0xffff  }
0x24c: {  	v28 =	vld.idx.msk [tilespmem:v15+s21+$0x0], $0xffff  }
0x24d: {  	v29 =	vld.idx.msk [tilespmem:v16+s21+$0x0], $0xffff  }
0x24e: {  	v30 =	vld.idx.msk [tilespmem:v17+s21+$0x0], $0xffff  }
0x24f: {  	[tilespmem:v8+s28+$0x0] =	vst.idx.add.f32.msk $0xffff, v9  }
0x250: {  	v9 =	vld.idx.msk [tilespmem:v2+s21+$0x0], $0xffff  }
0x251: {  	[tilespmem:v34+s28+$0x0] =	vst.idx.add.f32.msk $0xffff, v19  }
0x252: {  	[tilespmem:v35+s28+$0x0] =	vst.idx.add.f32.msk $0xffff, v20  }
0x253: {  	[tilespmem:v36+s28+$0x0] =	vst.idx.add.f32.msk $0xffff, v21  }
0x254: {  	[tilespmem:v37+s28+$0x0] =	vst.idx.add.f32.msk $0xffff, v22  }
0x255: {  	[tilespmem:v38+s28+$0x0] =	vst.idx.add.f32.msk $0xffff, v23  }
0x256: {  	[tilespmem:v39+s28+$0x0] =	vst.idx.add.f32.msk $0xffff, v24  }
0x257: {  	[tilespmem:v40+s28+$0x0] =	vst.idx.add.f32.msk $0xffff, v25  }
0x258: {  	[tilespmem:v41+s28+$0x0] =	vst.idx.add.f32.msk $0xffff, v26  }
0x259: {  	[tilespmem:v42+s28+$0x0] =	vst.idx.add.f32.msk $0xffff, v27  }
0x25a: {  	[tilespmem:v43+s28+$0x0] =	vst.idx.add.f32.msk $0xffff, v28  }
0x25b: {  	[tilespmem:v44+s28+$0x0] =	vst.idx.add.f32.msk $0xffff, v29  }
0x25c: {  	[tilespmem:v45+s28+$0x0] =	vst.idx.add.f32.msk $0xffff, v30  }
0x25d: {  	v7 =	vld.idx.msk [tilespmem:v7+s22+$0x0], $0xffff  }
0x25e: {  	v3 =	vld.idx.msk [tilespmem:v3+s22+$0x0], $0xffff  }
0x25f: {  	v4 =	vld.idx.msk [tilespmem:v4+s22+$0x0], $0xffff  }
0x260: {  	v5 =	vld.idx.msk [tilespmem:v5+s22+$0x0], $0xffff  }
0x261: {  	v6 =	vld.idx.msk [tilespmem:v6+s22+$0x0], $0xffff  }
0x262: {  	v56 =	vld.idx.msk [tilespmem:v10+s22+$0x0], $0xffff  }
0x263: {  	v57 =	vld.idx.msk [tilespmem:v11+s22+$0x0], $0xffff  }
0x264: {  	v58 =	vld.idx.msk [tilespmem:v12+s22+$0x0], $0xffff  }
0x265: {  	v59 =	vld.idx.msk [tilespmem:v13+s22+$0x0], $0xffff  }
0x266: {  	v60 =	vld.idx.msk [tilespmem:v14+s22+$0x0], $0xffff  }
0x267: {  	v61 =	vld.idx.msk [tilespmem:v15+s22+$0x0], $0xffff  }
0x268: {  	v62 =	vld.idx.msk [tilespmem:v16+s22+$0x0], $0xffff  }
0x269: {  	v63 =	vld.idx.msk [tilespmem:v17+s22+$0x0], $0xffff  }
0x26a: {  	[tilespmem:v33+s28+$0x0] =	vst.idx.add.f32.msk $0xffff, v9  }
0x26b: {  	[tilespmem:v8+s29+$0x0] =	vst.idx.add.f32.msk $0xffff, v7  }
0x26c: {  	v7 =	vld.idx.msk [tilespmem:v18+s21+$0x0], $0xffff  }
0x26d: {  	v8 =	vld.idx.msk [tilespmem:v1+s21+$0x0], $0xffff  }
0x26e: {  	v2 =	vld.idx.msk [tilespmem:v2+s22+$0x0], $0xffff  }
0x26f: {  	[tilespmem:v34+s29+$0x0] =	vst.idx.add.f32.msk $0xffff, v3  }
0x270: {  	[tilespmem:v35+s29+$0x0] =	vst.idx.add.f32.msk $0xffff, v4  }
0x271: {  	[tilespmem:v36+s29+$0x0] =	vst.idx.add.f32.msk $0xffff, v5  }
0x272: {  	[tilespmem:v37+s29+$0x0] =	vst.idx.add.f32.msk $0xffff, v6  }
0x273: {  	[tilespmem:v38+s29+$0x0] =	vst.idx.add.f32.msk $0xffff, v56  }
0x274: {  	[tilespmem:v39+s29+$0x0] =	vst.idx.add.f32.msk $0xffff, v57  }
0x275: {  	[tilespmem:v40+s29+$0x0] =	vst.idx.add.f32.msk $0xffff, v58  }
0x276: {  	[tilespmem:v41+s29+$0x0] =	vst.idx.add.f32.msk $0xffff, v59  }
0x277: {  	[tilespmem:v42+s29+$0x0] =	vst.idx.add.f32.msk $0xffff, v60  }
0x278: {  	[tilespmem:v43+s29+$0x0] =	vst.idx.add.f32.msk $0xffff, v61  }
0x279: {  	[tilespmem:v31+s28+$0x0] =	vst.idx.add.f32.msk $0xffff, v7  }
0x27a: {  	[tilespmem:v32+s28+$0x0] =	vst.idx.add.f32.msk $0xffff, v8  }
0x27b: {  	v7 =	vld.idx.msk [tilespmem:v18+s22+$0x0], $0xffff  }
0x27c: {  	v1 =	vld.idx.msk [tilespmem:v1+s22+$0x0], $0xffff  }
0x27d: {  	[tilespmem:v44+s29+$0x0] =	vst.idx.add.f32.msk $0xffff, v62  }
0x27e: {  	[tilespmem:v45+s29+$0x0] =	vst.idx.add.f32.msk $0xffff, v63  }
0x27f: {  	[tilespmem:v33+s29+$0x0] =	vst.idx.add.f32.msk $0xffff, v2  }
0x280: {  	[tilespmem:v31+s29+$0x0] =	vst.idx.add.f32.msk $0xffff, v7  }
0x281: {  	s16 =	simm.s32 $0x0;
	s17 =	simm.s32 $0x16500;
	[tilespmem:v32+s29+$0x0] =	vst.idx.add.f32.msk $0xffff, v1  }
.LBB2_7:
0x282: {  	v16 =	vld [tilespmem:s17+$0x70];
	s16 =	sadd.s32 $0x10, s16  }
0x283: {  	v1 =	vld [tilespmem:s17+$0xFFFFFF90];
	p1 =	slt.u32 s16, $0x260  }
0x284: {  	v2 =	vld [tilespmem:s17+$0xFFFFFFA0]  }
0x285: {  	v3 =	vld [tilespmem:s17+$0xFFFFFFB0]  }
0x286: {  	v4 =	vld [tilespmem:s17+$0xFFFFFFC0]  }
0x287: {  	s1 =	sadd.s32 $0x100, s1;
	v5 =	vld [tilespmem:s17+$0xFFFFFFD0]  }
0x288: {  	v17 =	vld [tilespmem:s1+$0x70]  }
0x289: {  	v6 =	vld [tilespmem:s17+$0xFFFFFFE0]  }
0x28a: {  	v12 =	vld.idx.msk [tilespmem:v16+s2+$0x0], $0xffff  }
0x28b: {  	v7 =	vld [tilespmem:s17+$0xFFFFFFF0]  }
0x28c: {  	v8 =	vld [tilespmem:s17+$0x0]  }
0x28d: {  	v9 =	vld [tilespmem:s17+$0x10]  }
0x28e: {  	v10 =	vld [tilespmem:s17+$0x20]  }
0x28f: {  	v11 =	vld [tilespmem:s17+$0x30]  }
0x290: {  	[tilespmem:v17+s25+$0x0] =	vst.idx.add.f32.msk $0xffff, v12  }
0x291: {  	v18 =	vld.idx.msk [tilespmem:v16+s20+$0x0], $0xffff  }
0x292: {  	v12 =	vld [tilespmem:s17+$0x40]  }
0x293: {  	v13 =	vld [tilespmem:s17+$0x50]  }
0x294: {  	v14 =	vld [tilespmem:s17+$0x60]  }
0x295: {  	v15 =	vld [tilespmem:s17+$0xFFFFFF80]  }
0x296: {  	v31 =	vld.idx.msk [tilespmem:v1+s2+$0x0], $0xffff  }
0x297: {  	[tilespmem:v17+s26+$0x0] =	vst.idx.add.f32.msk $0xffff, v18  }
0x298: {  	v18 =	vld.idx.msk [tilespmem:v16+s21+$0x0], $0xffff  }
0x299: {  	v32 =	vld.idx.msk [tilespmem:v2+s2+$0x0], $0xffff  }
0x29a: {  	v33 =	vld.idx.msk [tilespmem:v3+s2+$0x0], $0xffff  }
0x29b: {  	v34 =	vld.idx.msk [tilespmem:v4+s2+$0x0], $0xffff  }
0x29c: {  	v35 =	vld.idx.msk [tilespmem:v5+s2+$0x0], $0xffff  }
0x29d: {  	v36 =	vld.idx.msk [tilespmem:v15+s2+$0x0], $0xffff  }
0x29e: {  	[tilespmem:v17+s28+$0x0] =	vst.idx.add.f32.msk $0xffff, v18  }
0x29f: {  	v16 =	vld.idx.msk [tilespmem:v16+s22+$0x0], $0xffff  }
0x2a0: {  	v37 =	vld.idx.msk [tilespmem:v6+s2+$0x0], $0xffff  }
0x2a1: {  	v38 =	vld.idx.msk [tilespmem:v7+s2+$0x0], $0xffff  }
0x2a2: {  	v39 =	vld.idx.msk [tilespmem:v8+s2+$0x0], $0xffff  }
0x2a3: {  	v40 =	vld.idx.msk [tilespmem:v9+s2+$0x0], $0xffff  }
0x2a4: {  	v41 =	vld.idx.msk [tilespmem:v10+s2+$0x0], $0xffff  }
0x2a5: {  	[tilespmem:v17+s29+$0x0] =	vst.idx.add.f32.msk $0xffff, v16  }
0x2a6: {  	v42 =	vld.idx.msk [tilespmem:v11+s2+$0x0], $0xffff  }
0x2a7: {  	v43 =	vld.idx.msk [tilespmem:v12+s2+$0x0], $0xffff  }
0x2a8: {  	v44 =	vld.idx.msk [tilespmem:v13+s2+$0x0], $0xffff  }
0x2a9: {  	v45 =	vld.idx.msk [tilespmem:v14+s2+$0x0], $0xffff  }
0x2aa: {  	v16 =	vld [tilespmem:s1+$0xFFFFFF80]  }
0x2ab: {  	v17 =	vld [tilespmem:s1+$0xFFFFFF90]  }
0x2ac: {  	v18 =	vld [tilespmem:s1+$0xFFFFFFA0]  }
0x2ad: {  	v19 =	vld [tilespmem:s1+$0xFFFFFFB0]  }
0x2ae: {  	v20 =	vld [tilespmem:s1+$0xFFFFFFC0]  }
0x2af: {  	v21 =	vld [tilespmem:s1+$0xFFFFFFD0]  }
0x2b0: {  	v22 =	vld [tilespmem:s1+$0xFFFFFFE0]  }
0x2b1: {  	v23 =	vld [tilespmem:s1+$0xFFFFFFF0]  }
0x2b2: {  	v24 =	vld [tilespmem:s1+$0x0]  }
0x2b3: {  	v25 =	vld [tilespmem:s1+$0x10]  }
0x2b4: {  	v26 =	vld [tilespmem:s1+$0x20]  }
0x2b5: {  	v27 =	vld [tilespmem:s1+$0x30]  }
0x2b6: {  	v28 =	vld [tilespmem:s1+$0x40]  }
0x2b7: {  	v29 =	vld [tilespmem:s1+$0x50]  }
0x2b8: {  	v30 =	vld [tilespmem:s1+$0x60]  }
0x2b9: {  	[tilespmem:v16+s25+$0x0] =	vst.idx.add.f32.msk $0xffff, v36  }
0x2ba: {  	[tilespmem:v17+s25+$0x0] =	vst.idx.add.f32.msk $0xffff, v31  }
0x2bb: {  	[tilespmem:v18+s25+$0x0] =	vst.idx.add.f32.msk $0xffff, v32  }
0x2bc: {  	[tilespmem:v19+s25+$0x0] =	vst.idx.add.f32.msk $0xffff, v33  }
0x2bd: {  	[tilespmem:v20+s25+$0x0] =	vst.idx.add.f32.msk $0xffff, v34  }
0x2be: {  	[tilespmem:v21+s25+$0x0] =	vst.idx.add.f32.msk $0xffff, v35  }
0x2bf: {  	[tilespmem:v22+s25+$0x0] =	vst.idx.add.f32.msk $0xffff, v37  }
0x2c0: {  	[tilespmem:v23+s25+$0x0] =	vst.idx.add.f32.msk $0xffff, v38  }
0x2c1: {  	[tilespmem:v24+s25+$0x0] =	vst.idx.add.f32.msk $0xffff, v39  }
0x2c2: {  	[tilespmem:v25+s25+$0x0] =	vst.idx.add.f32.msk $0xffff, v40  }
0x2c3: {  	[tilespmem:v26+s25+$0x0] =	vst.idx.add.f32.msk $0xffff, v41  }
0x2c4: {  	[tilespmem:v27+s25+$0x0] =	vst.idx.add.f32.msk $0xffff, v42  }
0x2c5: {  	[tilespmem:v28+s25+$0x0] =	vst.idx.add.f32.msk $0xffff, v43  }
0x2c6: {  	[tilespmem:v29+s25+$0x0] =	vst.idx.add.f32.msk $0xffff, v44  }
0x2c7: {  	[tilespmem:v30+s25+$0x0] =	vst.idx.add.f32.msk $0xffff, v45  }
0x2c8: {  	v31 =	vld.idx.msk [tilespmem:v15+s20+$0x0], $0xffff  }
0x2c9: {  	v32 =	vld.idx.msk [tilespmem:v1+s20+$0x0], $0xffff  }
0x2ca: {  	v33 =	vld.idx.msk [tilespmem:v2+s20+$0x0], $0xffff  }
0x2cb: {  	v34 =	vld.idx.msk [tilespmem:v3+s20+$0x0], $0xffff  }
0x2cc: {  	v35 =	vld.idx.msk [tilespmem:v4+s20+$0x0], $0xffff  }
0x2cd: {  	v36 =	vld.idx.msk [tilespmem:v5+s20+$0x0], $0xffff  }
0x2ce: {  	v37 =	vld.idx.msk [tilespmem:v6+s20+$0x0], $0xffff  }
0x2cf: {  	v38 =	vld.idx.msk [tilespmem:v7+s20+$0x0], $0xffff  }
0x2d0: {  	v39 =	vld.idx.msk [tilespmem:v8+s20+$0x0], $0xffff  }
0x2d1: {  	v40 =	vld.idx.msk [tilespmem:v9+s20+$0x0], $0xffff  }
0x2d2: {  	v41 =	vld.idx.msk [tilespmem:v10+s20+$0x0], $0xffff  }
0x2d3: {  	v42 =	vld.idx.msk [tilespmem:v11+s20+$0x0], $0xffff  }
0x2d4: {  	v43 =	vld.idx.msk [tilespmem:v12+s20+$0x0], $0xffff  }
0x2d5: {  	v44 =	vld.idx.msk [tilespmem:v13+s20+$0x0], $0xffff  }
0x2d6: {  	v45 =	vld.idx.msk [tilespmem:v14+s20+$0x0], $0xffff  }
0x2d7: {  	[tilespmem:v16+s26+$0x0] =	vst.idx.add.f32.msk $0xffff, v31  }
0x2d8: {  	[tilespmem:v17+s26+$0x0] =	vst.idx.add.f32.msk $0xffff, v32  }
0x2d9: {  	[tilespmem:v18+s26+$0x0] =	vst.idx.add.f32.msk $0xffff, v33  }
0x2da: {  	[tilespmem:v19+s26+$0x0] =	vst.idx.add.f32.msk $0xffff, v34  }
0x2db: {  	[tilespmem:v20+s26+$0x0] =	vst.idx.add.f32.msk $0xffff, v35  }
0x2dc: {  	[tilespmem:v21+s26+$0x0] =	vst.idx.add.f32.msk $0xffff, v36  }
0x2dd: {  	[tilespmem:v22+s26+$0x0] =	vst.idx.add.f32.msk $0xffff, v37  }
0x2de: {  	[tilespmem:v23+s26+$0x0] =	vst.idx.add.f32.msk $0xffff, v38  }
0x2df: {  	[tilespmem:v24+s26+$0x0] =	vst.idx.add.f32.msk $0xffff, v39  }
0x2e0: {  	[tilespmem:v25+s26+$0x0] =	vst.idx.add.f32.msk $0xffff, v40  }
0x2e1: {  	[tilespmem:v26+s26+$0x0] =	vst.idx.add.f32.msk $0xffff, v41  }
0x2e2: {  	[tilespmem:v27+s26+$0x0] =	vst.idx.add.f32.msk $0xffff, v42  }
0x2e3: {  	[tilespmem:v28+s26+$0x0] =	vst.idx.add.f32.msk $0xffff, v43  }
0x2e4: {  	[tilespmem:v29+s26+$0x0] =	vst.idx.add.f32.msk $0xffff, v44  }
0x2e5: {  	[tilespmem:v30+s26+$0x0] =	vst.idx.add.f32.msk $0xffff, v45  }
0x2e6: {  	v31 =	vld.idx.msk [tilespmem:v15+s21+$0x0], $0xffff  }
0x2e7: {  	v32 =	vld.idx.msk [tilespmem:v1+s21+$0x0], $0xffff  }
0x2e8: {  	v33 =	vld.idx.msk [tilespmem:v2+s21+$0x0], $0xffff  }
0x2e9: {  	v34 =	vld.idx.msk [tilespmem:v3+s21+$0x0], $0xffff  }
0x2ea: {  	v35 =	vld.idx.msk [tilespmem:v4+s21+$0x0], $0xffff  }
0x2eb: {  	v36 =	vld.idx.msk [tilespmem:v5+s21+$0x0], $0xffff  }
0x2ec: {  	v37 =	vld.idx.msk [tilespmem:v6+s21+$0x0], $0xffff  }
0x2ed: {  	v38 =	vld.idx.msk [tilespmem:v7+s21+$0x0], $0xffff  }
0x2ee: {  	v39 =	vld.idx.msk [tilespmem:v8+s21+$0x0], $0xffff  }
0x2ef: {  	v40 =	vld.idx.msk [tilespmem:v9+s21+$0x0], $0xffff  }
0x2f0: {  	v41 =	vld.idx.msk [tilespmem:v10+s21+$0x0], $0xffff  }
0x2f1: {  	v42 =	vld.idx.msk [tilespmem:v11+s21+$0x0], $0xffff  }
0x2f2: {  	v43 =	vld.idx.msk [tilespmem:v12+s21+$0x0], $0xffff  }
0x2f3: {  	v44 =	vld.idx.msk [tilespmem:v13+s21+$0x0], $0xffff  }
0x2f4: {  	v45 =	vld.idx.msk [tilespmem:v14+s21+$0x0], $0xffff  }
0x2f5: {  	[tilespmem:v16+s28+$0x0] =	vst.idx.add.f32.msk $0xffff, v31  }
0x2f6: {  	[tilespmem:v17+s28+$0x0] =	vst.idx.add.f32.msk $0xffff, v32  }
0x2f7: {  	[tilespmem:v18+s28+$0x0] =	vst.idx.add.f32.msk $0xffff, v33  }
0x2f8: {  	[tilespmem:v19+s28+$0x0] =	vst.idx.add.f32.msk $0xffff, v34  }
0x2f9: {  	[tilespmem:v20+s28+$0x0] =	vst.idx.add.f32.msk $0xffff, v35  }
0x2fa: {  	[tilespmem:v21+s28+$0x0] =	vst.idx.add.f32.msk $0xffff, v36  }
0x2fb: {  	[tilespmem:v22+s28+$0x0] =	vst.idx.add.f32.msk $0xffff, v37  }
0x2fc: {  	[tilespmem:v23+s28+$0x0] =	vst.idx.add.f32.msk $0xffff, v38  }
0x2fd: {  	[tilespmem:v24+s28+$0x0] =	vst.idx.add.f32.msk $0xffff, v39  }
0x2fe: {  	[tilespmem:v25+s28+$0x0] =	vst.idx.add.f32.msk $0xffff, v40  }
0x2ff: {  	[tilespmem:v26+s28+$0x0] =	vst.idx.add.f32.msk $0xffff, v41  }
0x300: {  	[tilespmem:v27+s28+$0x0] =	vst.idx.add.f32.msk $0xffff, v42  }
0x301: {  	[tilespmem:v28+s28+$0x0] =	vst.idx.add.f32.msk $0xffff, v43  }
0x302: {  	[tilespmem:v29+s28+$0x0] =	vst.idx.add.f32.msk $0xffff, v44  }
0x303: {  	[tilespmem:v30+s28+$0x0] =	vst.idx.add.f32.msk $0xffff, v45  }
0x304: {  	v15 =	vld.idx.msk [tilespmem:v15+s22+$0x0], $0xffff  }
0x305: {  	v1 =	vld.idx.msk [tilespmem:v1+s22+$0x0], $0xffff  }
0x306: {  	v2 =	vld.idx.msk [tilespmem:v2+s22+$0x0], $0xffff  }
0x307: {  	v3 =	vld.idx.msk [tilespmem:v3+s22+$0x0], $0xffff  }
0x308: {  	v4 =	vld.idx.msk [tilespmem:v4+s22+$0x0], $0xffff  }
0x309: {  	v5 =	vld.idx.msk [tilespmem:v5+s22+$0x0], $0xffff  }
0x30a: {  	v6 =	vld.idx.msk [tilespmem:v6+s22+$0x0], $0xffff  }
0x30b: {  	v7 =	vld.idx.msk [tilespmem:v7+s22+$0x0], $0xffff  }
0x30c: {  	v8 =	vld.idx.msk [tilespmem:v8+s22+$0x0], $0xffff  }
0x30d: {  	v9 =	vld.idx.msk [tilespmem:v9+s22+$0x0], $0xffff  }
0x30e: {  	v10 =	vld.idx.msk [tilespmem:v10+s22+$0x0], $0xffff  }
0x30f: {  	v11 =	vld.idx.msk [tilespmem:v11+s22+$0x0], $0xffff  }
0x310: {  	v12 =	vld.idx.msk [tilespmem:v12+s22+$0x0], $0xffff  }
0x311: {  	v13 =	vld.idx.msk [tilespmem:v13+s22+$0x0], $0xffff  }
0x312: {  	v14 =	vld.idx.msk [tilespmem:v14+s22+$0x0], $0xffff  }
0x313: {  	[tilespmem:v16+s29+$0x0] =	vst.idx.add.f32.msk $0xffff, v15  }
0x314: {  	[tilespmem:v17+s29+$0x0] =	vst.idx.add.f32.msk $0xffff, v1  }
0x315: {  	[tilespmem:v18+s29+$0x0] =	vst.idx.add.f32.msk $0xffff, v2  }
0x316: {  	[tilespmem:v19+s29+$0x0] =	vst.idx.add.f32.msk $0xffff, v3  }
0x317: {  	[tilespmem:v20+s29+$0x0] =	vst.idx.add.f32.msk $0xffff, v4  }
0x318: {  	[tilespmem:v21+s29+$0x0] =	vst.idx.add.f32.msk $0xffff, v5  }
0x319: {  	[tilespmem:v22+s29+$0x0] =	vst.idx.add.f32.msk $0xffff, v6  }
0x31a: {  	[tilespmem:v23+s29+$0x0] =	vst.idx.add.f32.msk $0xffff, v7  }
0x31b: {  	[tilespmem:v24+s29+$0x0] =	vst.idx.add.f32.msk $0xffff, v8  }
0x31c: {  	[tilespmem:v25+s29+$0x0] =	vst.idx.add.f32.msk $0xffff, v9  }
.Ltmp4:
0x31d: {  	[tilespmem:v26+s29+$0x0] =	vst.idx.add.f32.msk $0xffff, v10;
	(pc) =	sbr.rel @p1 .LBB2_7-.Ltmp4, $4  }
0x31e: {  	[tilespmem:v27+s29+$0x0] =	vst.idx.add.f32.msk $0xffff, v11  }
0x31f: {  	[tilespmem:v28+s29+$0x0] =	vst.idx.add.f32.msk $0xffff, v12  }
0x320: {  	[tilespmem:v29+s29+$0x0] =	vst.idx.add.f32.msk $0xffff, v13  }
0x321: {  	s17 =	sadd.s32 $0x100, s17;
	[tilespmem:v30+s29+$0x0] =	vst.idx.add.f32.msk $0xffff, v14  }
0x322: {  	v1 =	vld [tilespmem:$0x18A80];
	_ =	sdelay $0x4  }
0x323: {  	v2 =	vld [tilespmem:$0x1D980];
	_ =	sdelay $0x2  }
0x324: {  	v3 =	vld.idx.msk [tilespmem:v1+s2+$0x0], $0xffff;
	_ =	sdelay $0x4  }
0x325: {  	[tilespmem:v2+s25+$0x0] =	vst.idx.add.f32.msk $0xffff, v3  }
0x326: {  	v3 =	vld.idx.msk [tilespmem:v1+s20+$0x0], $0xffff;
	_ =	sdelay $0x4  }
0x327: {  	[tilespmem:v2+s26+$0x0] =	vst.idx.add.f32.msk $0xffff, v3  }
0x328: {  	v3 =	vld.idx.msk [tilespmem:v1+s21+$0x0], $0xffff;
	_ =	sdelay $0x4  }
0x329: {  	[tilespmem:v2+s28+$0x0] =	vst.idx.add.f32.msk $0xffff, v3  }
0x32a: {  	v1 =	vld.idx.msk [tilespmem:v1+s22+$0x0], $0xffff  }
.Ltmp5:
0x32b: {  	_ = 	snop;
	(pc) =	sbr.rel @p0 .LBB2_10-.Ltmp5, $2  }
0x32c: {  	_ =	sdelay $0x2  }
0x32d: {  	[tilespmem:v2+s29+$0x0] =	vst.idx.add.f32.msk $0xffff, v1  }
0x32e: {  	s1 =	smul.u32 $0x4E20, s0;
	_ =	sdelay $0x1  }
0x32f: {  	s1 =	sshrl.u32 s1, $0x3  }
.Ltmp6:
0x330: {  	s1 =	sadd.s32 s3, s1;
	(pc) =	sbr.rel .LBB2_4-.Ltmp6, $4  }
0x331: {  	s4 =	sadd.s32 $0xEA6, s1  }
0x332: {  	[tilespmem:s18], [sflag:$0x2] =	stream.linear.gather [hbm4b:s4+s2], $0x2710, $0x38;
	[tilespmem:$0x1DA00] =	vst v63  }
0x333: {  	s0 =	sadd.s32 $0x1, s0;
	s1 =	sadd.s32 $0xAAE6, s1  }
0x334: {  	[tilespmem:s19], [sflag:$0x2] =	stream.linear.gather [hbm4b:s1+s2], $0x2710, $0x38;
	[tilespmem:$0x1DA00] =	vst v63  }
.LBB2_11:
0x335: {  	_ =	sfence.sel $0x180000  }
0x336: {  	[bflag:$0x0] =	sbarrier.arrive $0xFFFF  }
0x337: {  	_ =	strace $0x90000047  }
0x338: {  	s0 =	stileid.u32;
	[bflag:$0x2] =	sbarrier.arrive $0xFFFF  }
0x339: {  	p0 =	sne.s32 s0, $0x0;
	s0 =	rddreg [dreg:$0x2]  }
0x33a: {  	s0 =	sadd.s32 @!p0 $0x100000, s0  }
0x33b: {  	[sflag:s0] =	ssyncadd.tile.s32 @!p0 $0x1;
	_ =	shalt  }
.Lfunc_end2:
_tile_overlayer_lowered:
.L_overlay_start_2:
0x33c: {  	(tag) =	ssettag $0x2  }
0x33d: {  	s0 =	rddreg [dreg:$0x0];
	s2 =	stileid.u32  }
0x33e: {  	s1 =	rddreg [dreg:$0x1];
	p0 =	sne.s32 s2, $0x0  }
0x33f: {  	s3 =	rddreg [dreg:$0x2];
	[bflag:$0x3] =	sbarrier.arrive $0xFFFF;
	s2 =	simm.s32 @!p0 $0x1C04  }
0x340: {  	[timem:s3], [sflag:s2] =	dma.local @!p0 [hbm:s0], s1  }
0x341: {  	s0 =	simm.s32 @!p0 $0x4  }
0x342: {  	_ =	swait.ge @!p0 [sflag:s0], s1  }
0x343: {  	s1 =	ssub.s32 @!p0 $0x0, s1;
	[sflag:s0] =	ssyncset.done @!p0 $0x0  }
0x344: {  	[sflag:s0] =	ssyncadd.s32 @!p0 s1  }
0x345: {  	[bflag:$0x3] =	sbarrier.arrive $0xFFFF  }
0x346: {  	_ =	shalt  }

</sc_bundles>
